<compile_context>
chip_gen: v7x
topology: tpu7x:2x2x1
jax: 0.10.2.dev20260603
libtpu: 0.0.44.dev20260713+nightly
codegen_flags: <defaults>
</compile_context>

<pallas_src>
import functools

import jax
import jax.numpy as jnp
from jax import lax
from jax.experimental import pallas as pl
from jax.experimental.pallas import tpu as pltpu
from jax.experimental.pallas import tpu_sc as plsc

K = 30
NUM_RBF = 16
NUM_PE = 16
EDGE_FEAT = 128
MAX_REL = 32
EDGE_IN = NUM_PE + NUM_RBF * 9 + 7
ROWS = 256
EROWS = 1024
FCOLS = 32


def _nrm3(x, y, z, eps=1e-12):
    n = jnp.sqrt(x * x + y * y + z * z)
    n = jnp.maximum(n, eps)
    return x / n, y / n, z / n


def _knn_kernel(ca_ref, ca0_ref, ca2_ref, caT_ref, ch_ref, rs_ref,
                dn_ref, ei_ref, f_ref):
    t = pl.program_id(1)
    R = ROWS
    x = ca_ref[0]
    xT = caT_ref[0]
    L = xT.shape[1]
    dx0 = x[:, 0:1] - xT[0:1, :]
    dx1 = x[:, 1:2] - xT[1:2, :]
    dx2 = x[:, 2:3] - xT[2:3, :]
    D = jnp.sqrt(dx0 * dx0 + dx1 * dx1 + dx2 * dx2 + 1e-6)
    iota = lax.broadcasted_iota(jnp.int32, (R, L), 1)
    vals = []
    idxs = []
    cur = D
    for _ in range(K):
        vmin = jnp.min(cur, axis=1, keepdims=True)
        im = jnp.min(jnp.where(cur == vmin, iota, L), axis=1, keepdims=True)
        vals.append(vmin)
        idxs.append(im)
        cur = jnp.where(iota == im, jnp.float32(jnp.inf), cur)
    dn_ref[0] = jnp.concatenate(vals, axis=1)
    ei_ref[0] = jnp.concatenate(idxs, axis=1)

    a0 = ca0_ref[0]
    a2 = ca2_ref[0]
    da = x - a0
    db = a2 - x
    na = jnp.sqrt(jnp.sum(da * da, axis=1, keepdims=True))
    nb = jnp.sqrt(jnp.sum(db * db, axis=1, keepdims=True))
    ma = ((na > 3.6) & (na < 4.0)).astype(jnp.float32)
    mb = ((nb > 3.6) & (nb < 4.0)).astype(jnp.float32)
    ua = da * ma / jnp.maximum(na * ma, 1e-12)
    ub = db * mb / jnp.maximum(nb * mb, 1e-12)
    uax, uay, uaz = ua[:, 0:1], ua[:, 1:2], ua[:, 2:3]
    ubx, uby, ubz = ub[:, 0:1], ub[:, 1:2], ub[:, 2:3]
    o1x, o1y, o1z = _nrm3(uax - ubx, uay - uby, uaz - ubz)
    cx = uay * ubz - uaz * uby
    cy = uaz * ubx - uax * ubz
    cz = uax * uby - uay * ubx
    n2x, n2y, n2z = _nrm3(cx, cy, cz)
    t3x = o1y * n2z - o1z * n2y
    t3y = o1z * n2x - o1x * n2z
    t3z = o1x * n2y - o1y * n2x
    gi = t * R + lax.broadcasted_iota(jnp.int32, (R, 1), 0)
    valid = ((gi >= 1) & (gi <= L - 3)).astype(jnp.float32)
    O9 = jnp.concatenate(
        [o1x, o1y, o1z, n2x, n2y, n2z, t3x, t3y, t3z], axis=1) * valid
    pad = jnp.zeros((R, FCOLS - 20), jnp.float32)
    f_ref[0] = jnp.concatenate(
        [a0, x, a2, O9, ch_ref[0], rs_ref[0], pad], axis=1)


def _knn_and_table(Ca, Ca0, Ca2, chain_f, resid_f):
    B, L, _ = Ca.shape
    CaT = jnp.swapaxes(Ca, 1, 2)
    grid = (B, L // ROWS)
    tile3 = pl.BlockSpec((1, ROWS, 3), lambda b, t: (b, t, 0))
    tile1 = pl.BlockSpec((1, ROWS, 1), lambda b, t: (b, t, 0))
    return pl.pallas_call(
        _knn_kernel,
        grid=grid,
        compiler_params=pltpu.CompilerParams(
            dimension_semantics=("parallel", "parallel")),
        in_specs=[
            tile3, tile3, tile3,
            pl.BlockSpec((1, 3, L), lambda b, t: (b, 0, 0)),
            tile1, tile1,
        ],
        out_specs=[
            pl.BlockSpec((1, ROWS, K), lambda b, t: (b, t, 0)),
            pl.BlockSpec((1, ROWS, K), lambda b, t: (b, t, 0)),
            pl.BlockSpec((1, ROWS, FCOLS), lambda b, t: (b, t, 0)),
        ],
        out_shape=[
            jax.ShapeDtypeStruct((B, L, K), jnp.float32),
            jax.ShapeDtypeStruct((B, L, K), jnp.int32),
            jax.ShapeDtypeStruct((B, L, FCOLS), jnp.float32),
        ],
    )(Ca, Ca0, Ca2, CaT, chain_f, resid_f)


def _sc_gather(table, idx):
    N = idx.shape[0]
    info = plsc.get_sparse_core_info()
    NW = info.num_cores * info.num_subcores
    per_w = N // NW
    CH = 128
    n_ch = per_w // CH
    mesh = plsc.VectorSubcoreMesh(core_axis_name="c", subcore_axis_name="s")

    @functools.partial(
        pl.kernel,
        mesh=mesh,
        compiler_params=pltpu.CompilerParams(use_tc_tiling_on_sc=False),
        out_type=jax.ShapeDtypeStruct((N, FCOLS), jnp.float32),
        scratch_types=[
            pltpu.VMEM((CH,), jnp.int32),
            pltpu.VMEM((CH, FCOLS), jnp.float32),
            pltpu.SemaphoreType.DMA,
        ],
    )
    def gather_k(table_hbm, idx_hbm, out_hbm, idx_v, rows_v, sem):
        wid = lax.axis_index("s") * info.num_cores + lax.axis_index("c")
        base = wid * per_w

        def body(c, carry):
            off = pl.multiple_of(base + c * CH, CH)
            pltpu.sync_copy(idx_hbm.at[pl.ds(off, CH)], idx_v)
            pltpu.async_copy(table_hbm.at[idx_v], rows_v, sem).wait()
            pltpu.sync_copy(rows_v, out_hbm.at[pl.ds(off, CH)])
            return carry

        lax.fori_loop(0, n_ch, body, 0)

    return gather_k(table, idx)


def _edge_kernel(ei_ref, g_ref, peW_ref, peb_ref, eW_ref, g2_ref, b2_ref,
                 out_ref):
    ei = ei_ref[...]
    gj = g_ref[...]

    a = [ei[:, i:i + 1] for i in range(6)]
    b = [gj[:, i:i + 1] for i in range(6)]
    Oi = [ei[:, 9 + i:10 + i] for i in range(9)]
    Oj = [gj[:, 9 + i:10 + i] for i in range(9)]
    ci = ei[:, 18:19]
    ri = ei[:, 19:20]
    dN = ei[:, 20:21]
    cj = gj[:, 18:19]
    rj = gj[:, 19:20]

    def a3(p):
        return ei[:, 3 * p:3 * p + 3]

    def b3(q):
        return gj[:, 3 * q:3 * q + 3]

    def pdist(p, q):
        dd = a3(p) - b3(q)
        return jnp.sqrt(
            jnp.sum(dd * dd, axis=1, keepdims=True) + 1e-6)

    d9 = [dN, pdist(0, 0), pdist(2, 2), pdist(0, 1), pdist(0, 2),
          pdist(1, 0), pdist(1, 2), pdist(2, 0), pdist(2, 1)]
    d144 = jnp.concatenate(
        [jnp.broadcast_to(d, (d.shape[0], NUM_RBF)) for d in d9], axis=1)
    mu144 = 2.0 + (lax.broadcasted_iota(jnp.int32, (1, 9 * NUM_RBF), 1)
                   % NUM_RBF).astype(jnp.float32) * (20.0 / (NUM_RBF - 1))
    z = (d144 - mu144) / ((22.0 - 2.0) / NUM_RBF)
    rbf144 = jnp.exp(-(z * z))

    def b16(v):
        return v.astype(jnp.bfloat16).astype(jnp.float32)

    Oib = [b16(v) for v in Oi]
    Ojb = [b16(v) for v in Oj]

    dx = b16(b[3] - a[3])
    dy = b16(b[4] - a[4])
    dz = b16(b[5] - a[5])
    du0 = Oib[0] * dx + Oib[1] * dy + Oib[2] * dz
    du1 = Oib[3] * dx + Oib[4] * dy + Oib[5] * dz
    du2 = Oib[6] * dx + Oib[7] * dy + Oib[8] * dz
    du0, du1, du2 = _nrm3(du0, du1, du2)

    Rm = [[Oib[0 + r] * Ojb[0 + c] + Oib[3 + r] * Ojb[3 + c]
           + Oib[6 + r] * Ojb[6 + c] for c in range(3)] for r in range(3)]
    Rxx, Ryy, Rzz = Rm[0][0], Rm[1][1], Rm[2][2]
    mag_x = 0.5 * jnp.sqrt(jnp.abs(Rxx - Ryy - Rzz + 1.0) + 1e-8)
    mag_y = 0.5 * jnp.sqrt(jnp.abs(-Rxx + Ryy - Rzz + 1.0) + 1e-8)
    mag_z = 0.5 * jnp.sqrt(jnp.abs(-Rxx - Ryy + Rzz + 1.0) + 1e-8)
    qx = jnp.sign(Rm[2][1] - Rm[1][2]) * mag_x
    qy = jnp.sign(Rm[0][2] - Rm[2][0]) * mag_y
    qz = jnp.sign(Rm[1][0] - Rm[0][1]) * mag_z
    qw = jnp.sqrt(jax.nn.relu(1.0 + Rxx + Ryy + Rzz) + 1e-8) / 2.0
    qn = jnp.maximum(
        jnp.sqrt(qx * qx + qy * qy + qz * qz + qw * qw), 1e-12)
    qx, qy, qz, qw = qx / qn, qy / qn, qz / qn, qw / qn

    offset = ri - rj
    ch = (ci == cj).astype(jnp.float32)
    d = jnp.clip(offset + MAX_REL, 0.0, 2.0 * MAX_REL) * ch \
        + (1.0 - ch) * (2.0 * MAX_REL + 1.0)
    iota = lax.broadcasted_iota(
        jnp.int32, (1, 2 * MAX_REL + 2), 1).astype(jnp.float32)
    oh = (iota == d).astype(jnp.float32)
    pe = lax.dot_general(oh.astype(jnp.bfloat16),
                         peW_ref[...].astype(jnp.bfloat16),
                         (((1,), (0,)), ((), ())),
                         preferred_element_type=jnp.float32) + peb_ref[...]

    feat = jnp.concatenate(
        [pe, rbf144, du0, du1, du2, qx, qy, qz, qw], axis=1)
    E = lax.dot_general(feat.astype(jnp.bfloat16),
                        eW_ref[...].astype(jnp.bfloat16),
                        (((1,), (0,)), ((), ())),
                        preferred_element_type=jnp.float32)
    mu = jnp.mean(E, axis=1, keepdims=True)
    var = jnp.mean((E - mu) * (E - mu), axis=1, keepdims=True)
    out_ref[...] = (E - mu) / jnp.sqrt(var + 1e-5) * g2_ref[...] + b2_ref[...]


def _edge_features(Ei, G, pe_W, pe_b, edge_W, ln_g, ln_b):
    N = Ei.shape[0]
    grid = (N // EROWS,)
    full = lambda s: pl.BlockSpec(s, lambda i: (0, 0))
    return pl.pallas_call(
        _edge_kernel,
        grid=grid,
        compiler_params=pltpu.CompilerParams(
            dimension_semantics=("parallel",)),
        in_specs=[
            pl.BlockSpec((EROWS, 21), lambda i: (i, 0)),
            pl.BlockSpec((EROWS, FCOLS), lambda i: (i, 0)),
            full(pe_W.shape), full((1, NUM_PE)),
            full(edge_W.shape), full((1, EDGE_FEAT)), full((1, EDGE_FEAT)),
        ],
        out_specs=pl.BlockSpec((EROWS, EDGE_FEAT), lambda i: (i, 0)),
        out_shape=jax.ShapeDtypeStruct((N, EDGE_FEAT), jnp.float32),
    )(Ei, G, pe_W, pe_b.reshape(1, -1), edge_W,
      ln_g.reshape(1, -1), ln_b.reshape(1, -1))


def kernel(Ca, mask, residue_idx, chain_labels, pe_W, pe_b, edge_W, ln_g,
           ln_b):
    B, L, _ = Ca.shape
    N = B * L * K
    Ca0 = jnp.pad(Ca[:, :-1], ((0, 0), (1, 0), (0, 0)))
    Ca2 = jnp.pad(Ca[:, 1:], ((0, 0), (0, 1), (0, 0)))
    chain_f = chain_labels.astype(jnp.float32)[..., None]
    resid_f = residue_idx.astype(jnp.float32)[..., None]

    D_nb, E_idx, F = _knn_and_table(Ca, Ca0, Ca2, chain_f, resid_f)

    idx_flat = (E_idx + (jnp.arange(B, dtype=jnp.int32) * L)[:, None, None]
                ).reshape(N)
    G = _sc_gather(F.reshape(B * L, FCOLS), idx_flat)

    Ei = jnp.concatenate(
        [jnp.broadcast_to(F[:, :, None, :20], (B, L, K, 20)).reshape(N, 20),
         D_nb.reshape(N, 1)], axis=-1)
    E = _edge_features(Ei, G, pe_W, pe_b, edge_W, ln_g, ln_b)
    return E.reshape(B, L, K, EDGE_FEAT), E_idx

# --- scband reference (transcript-rebuilt; emitter-appended) ---
"""Pipeline reference for scband-protein-mpnn-13262859010369 (READ-ONLY COPY).

The authoritative reference and input builder live on the scoring server;
editing this copy changes nothing except your own understanding.
"""

import jax, jax.numpy as jnp
import numpy as np

B, L, K = 2, 2048, 30
NUM_RBF = 16
NUM_PE = 16
EDGE_FEAT = 128
MAX_REL = 32
EDGE_IN = NUM_PE + NUM_RBF * 9 + 7


def _normalize(x, eps=1e-12):
    n = jnp.linalg.norm(x, axis=-1, keepdims=True)
    return x / jnp.maximum(n, eps)


def _gather_edges(edges, idx):
    idxe = jnp.broadcast_to(idx[..., None], idx.shape + (edges.shape[-1],))
    return jnp.take_along_axis(edges, idxe, axis=2)


def _gather_nodes(nodes, idx):
    b, l, c = nodes.shape
    k = idx.shape[2]
    flat = idx.reshape(b, l * k)
    flat = jnp.broadcast_to(flat[..., None], (b, l * k, c))
    out = jnp.take_along_axis(nodes, flat, axis=1)
    return out.reshape(b, l, k, c)


def _quaternions(R):
    diag = jnp.diagonal(R, axis1=-2, axis2=-1)
    Rxx = diag[..., 0]; Ryy = diag[..., 1]; Rzz = diag[..., 2]
    mags = 0.5 * jnp.sqrt(jnp.abs(1.0 + jnp.stack([Rxx - Ryy - Rzz, -Rxx + Ryy - Rzz, -Rxx - Ryy + Rzz], -1)) + 1e-8)
    signs = jnp.sign(jnp.stack([R[..., 2, 1] - R[..., 1, 2], R[..., 0, 2] - R[..., 2, 0], R[..., 1, 0] - R[..., 0, 1]], -1))
    xyz = signs * mags
    w = jnp.sqrt(jax.nn.relu(1.0 + diag.sum(-1, keepdims=True)) + 1e-8) / 2.0
    return _normalize(jnp.concatenate([xyz, w], -1))


def _rbf(D):
    mu = jnp.linspace(2.0, 22.0, NUM_RBF).reshape(1, 1, 1, -1)
    sigma = (22.0 - 2.0) / NUM_RBF
    return jnp.exp(-(((D[..., None] - mu) / sigma) ** 2))


def _get_rbf(A, Bc, E_idx):
    D = jnp.sqrt(jnp.sum((A[:, :, None, :] - Bc[:, None, :, :]) ** 2, -1) + 1e-6)
    Dn = _gather_edges(D[..., None], E_idx)[..., 0]
    return _rbf(Dn)


def _dist(X, mask):
    m2 = mask[:, None, :] * mask[:, :, None]
    dX = X[:, None, :, :] - X[:, :, None, :]
    D = m2 * jnp.sqrt(jnp.sum(dX ** 2, 3) + 1e-6)
    Dmax = jnp.max(D, -1, keepdims=True)
    Dadj = D + (1.0 - m2) * Dmax
    nv, E_idx = jax.lax.top_k(-Dadj, K)
    return -nv, E_idx


def _orient(X, E_idx, eps=1e-6):
    dX = X[:, 1:, :] - X[:, :-1, :]
    dn = jnp.linalg.norm(dX, axis=-1)
    m = ((dn > 3.6) & (dn < 4.0)).astype(X.dtype)
    dX = dX * m[:, :, None]
    U = _normalize(dX)
    u_2 = U[:, :-2, :]; u_1 = U[:, 1:-1, :]; u_0 = U[:, 2:, :]
    n_2 = _normalize(jnp.cross(u_2, u_1))
    n_1 = _normalize(jnp.cross(u_1, u_0))
    cosA = jnp.clip(-(u_1 * u_0).sum(-1), -1 + eps, 1 - eps)
    A = jnp.arccos(cosA)
    cosD = jnp.clip((n_2 * n_1).sum(-1), -1 + eps, 1 - eps)
    Dang = jnp.sign((u_2 * n_1).sum(-1)) * jnp.arccos(cosD)
    AD = jnp.stack([jnp.cos(A), jnp.sin(A) * jnp.cos(Dang), jnp.sin(A) * jnp.sin(Dang)], 2)
    AD = jnp.pad(AD, ((0, 0), (1, 2), (0, 0)))
    o_1 = _normalize(u_2 - u_1)
    O = jnp.stack([o_1, n_2, jnp.cross(o_1, n_2)], 2)
    O = O.reshape(O.shape[0], O.shape[1], 9)
    O = jnp.pad(O, ((0, 0), (1, 2), (0, 0)))
    On = _gather_nodes(O, E_idx)
    Xn = _gather_nodes(X, E_idx)
    O = O.reshape(O.shape[0], O.shape[1], 3, 3)
    On = On.reshape(On.shape[0], On.shape[1], On.shape[2], 3, 3)
    dXn = Xn - X[:, :, None, :]
    dU = jnp.matmul(O[:, :, None], dXn[..., None])[..., 0]
    dU = _normalize(dU)
    R = jnp.matmul(jnp.swapaxes(O[:, :, None], -1, -2), On)
    Q = _quaternions(R)
    return AD, jnp.concatenate([dU, Q], -1)


def _layer_norm(x, g, b, eps=1e-5):
    mu = x.mean(-1, keepdims=True)
    var = ((x - mu) ** 2).mean(-1, keepdims=True)
    return (x - mu) / jnp.sqrt(var + eps) * g + b


def _pos_encode(offset, mask_i, pe_W, pe_b):
    d = jnp.clip(offset + MAX_REL, 0, 2 * MAX_REL) * mask_i + (1 - mask_i) * (2 * MAX_REL + 1)
    oh = jax.nn.one_hot(d, 2 * MAX_REL + 2, dtype=pe_W.dtype)
    return oh @ pe_W + pe_b


def setup_inputs(seed: int = 0):
    key = jax.random.key(seed)
    ks = jax.random.split(key, 6)
    steps = _normalize(jax.random.normal(ks[0], (B, L, 3), jnp.float32)) * 3.8
    Ca = jnp.cumsum(steps, axis=1)
    mask = jnp.ones((B, L), jnp.float32)
    residue_idx = jnp.tile(jnp.arange(L, dtype=jnp.int32)[None, :], (B, 1))
    chain_labels = jax.random.randint(ks[1], (B, L), 0, 4, dtype=jnp.int32)
    pe_W = jax.random.normal(ks[2], (2 * MAX_REL + 2, NUM_PE), jnp.float32) * 0.05
    pe_b = jnp.zeros((NUM_PE,), jnp.float32)
    edge_W = jax.random.normal(ks[3], (EDGE_IN, EDGE_FEAT), jnp.float32) * 0.05
    ln_g = jnp.ones((EDGE_FEAT,), jnp.float32)
    ln_b = jnp.zeros((EDGE_FEAT,), jnp.float32)
    return {"Ca": Ca, "mask": mask, "residue_idx": residue_idx, "chain_labels": chain_labels, "pe_W": pe_W, "pe_b": pe_b, "edge_W": edge_W, "ln_g": ln_g, "ln_b": ln_b}


def reference(Ca, mask, residue_idx, chain_labels, pe_W, pe_b, edge_W, ln_g, ln_b):
    D_neighbors, E_idx = _dist(Ca, mask)
    Ca_0 = jnp.zeros_like(Ca).at[:, 1:, :].set(Ca[:, :-1, :])
    Ca_1 = Ca
    Ca_2 = jnp.zeros_like(Ca).at[:, :-1, :].set(Ca[:, 1:, :])
    V, O_features = _orient(Ca, E_idx)
    rbf_all = [_rbf(D_neighbors), _get_rbf(Ca_0, Ca_0, E_idx), _get_rbf(Ca_2, Ca_2, E_idx), _get_rbf(Ca_0, Ca_1, E_idx), _get_rbf(Ca_0, Ca_2, E_idx), _get_rbf(Ca_1, Ca_0, E_idx), _get_rbf(Ca_1, Ca_2, E_idx), _get_rbf(Ca_2, Ca_0, E_idx), _get_rbf(Ca_2, Ca_1, E_idx)]
    RBF_all = jnp.concatenate(rbf_all, -1)
    offset = residue_idx[:, :, None] - residue_idx[:, None, :]
    offset = _gather_edges(offset[..., None], E_idx)[..., 0]
    d_chains = ((chain_labels[:, :, None] - chain_labels[:, None, :]) == 0).astype(jnp.int32)
    E_chains = _gather_edges(d_chains[..., None], E_idx)[..., 0]
    E_pos = _pos_encode(offset, E_chains, pe_W, pe_b)
    E = jnp.concatenate([E_pos, RBF_all, O_features], -1)
    E = E @ edge_W
    E = _layer_norm(E, ln_g, ln_b)
    return E, E_idx

if __name__ == "__main__":
    import jax
    _d = setup_inputs()
    print(jax.jit(kernel)(*tuple(_d.values())))

</pallas_src>

<mosaic_0001>
#map = affine_map<(d0, d1) -> (0, 0)>
#map1 = affine_map<(d0, d1) -> (0)>
module attributes {stable_mosaic.version = 14 : i64} {
  func.func @gather_k(%arg0: i32, %arg1: i32, %arg2: memref<4096x32xf32, #tpu.memory_space<hbm>>, %arg3: memref<122880xi32, #tpu.memory_space<hbm>>, %arg4: memref<122880x32xf32, #tpu.memory_space<hbm>>, %arg5: memref<128xi32, #tpu.memory_space<vmem>>, %arg6: memref<128x32xf32, #tpu.memory_space<vmem>>, %arg7: memref<!tpu.dma_semaphore, #tpu.memory_space<semaphore_mem>>) attributes {dimension_semantics = [#tpu.dimension_semantics<core_parallel>, #tpu.dimension_semantics<subcore_parallel>], iteration_bounds = array<i64: 2, 16>, scalar_prefetch = 0 : i64, scratch_operands = 3 : i64, tpu.core_type = #tpu.core_type<sc_vector_subcore>, window_params = [{transform_indices = #map}, {transform_indices = #map1}, {transform_indices = #map}]} {
    %mul3A = arith.constant 2 : i32
    %mul3A_0 = arith.muli %arg1, %mul3A : i32
    %add3A = arith.addi %mul3A_0, %arg0 : i32
    %mul3A_1 = arith.constant 3840 : i32
    %mul3A_2 = arith.muli %add3A, %mul3A_1 : i32
    %scan3A = arith.constant 0 : i32
    %scan3A_3 = arith.constant 0 : i32
    %scan3A_4 = arith.constant 30 : i32
    %scan3A_5 = arith.addi %scan3A_3, %scan3A_4 : i32
    %scan3A_6 = arith.constant 1 : i32
    scf.for %scan3A_8 = %scan3A_3 to %scan3A_5 step %scan3A_6  : i32 {
      %mul3A_9 = arith.constant 128 : i32
      %mul3A_10 = arith.muli %scan3A_8, %mul3A_9 : i32
      %add3A_11 = arith.addi %mul3A_2, %mul3A_10 : i32
      %multiple_of3A = tpu.assume_multiple %add3A_11, 128 : i32
      "tpu.region"() ({
        %run_scoped3A = tpu.sem_alloc : memref<!tpu.dma_semaphore, #tpu.memory_space<semaphore_mem>>
        %dma_start3A_16 = tpu.memref_slice %arg3[%multiple_of3A] : memref<122880xi32, #tpu.memory_space<hbm>> -> memref<128xi32, #tpu.memory_space<hbm>>
        %dma_start3A_17 = tpu.memref_slice %arg3[%multiple_of3A] : memref<122880xi32, #tpu.memory_space<hbm>> -> memref<128xi32, #tpu.memory_space<hbm>>
        tpu.enqueue_dma source(%dma_start3A_17 : memref<128xi32, #tpu.memory_space<hbm>>) target(%arg5 : memref<128xi32, #tpu.memory_space<vmem>>) target_semaphore(%run_scoped3A : memref<!tpu.dma_semaphore, #tpu.memory_space<semaphore_mem>>)
        %dma_wait3A_18 = tpu.memref_slice %arg3[%multiple_of3A] : memref<122880xi32, #tpu.memory_space<hbm>> -> memref<128xi32, #tpu.memory_space<hbm>>
        %dma_wait3A_19 = tpu.memref_slice %arg3[%multiple_of3A] : memref<122880xi32, #tpu.memory_space<hbm>> -> memref<128xi32, #tpu.memory_space<hbm>>
        tpu.wait_dma2 semaphore(%run_scoped3A : memref<!tpu.dma_semaphore, #tpu.memory_space<semaphore_mem>>) src(%dma_wait3A_19 : memref<128xi32, #tpu.memory_space<hbm>>) dst(%arg5 : memref<128xi32, #tpu.memory_space<vmem>>)
        tpu.yield
      }) : () -> ()
      %dma_start3A = arith.constant 0 : i32
      %dma_start3A_12 = arith.constant 0 : i32
      %dma_start3A_13 = tpu.memref_slice %arg2[%dma_start3A, %dma_start3A_12] : memref<4096x32xf32, #tpu.memory_space<hbm>> -> memref<4096x32xf32, #tpu.memory_space<hbm>>
      tpu.enqueue_indirect_dma source(%dma_start3A_13 : memref<4096x32xf32, #tpu.memory_space<hbm>>) target(%arg6 : memref<128x32xf32, #tpu.memory_space<vmem>>) offsets(%arg5 : memref<128xi32, #tpu.memory_space<vmem>>) semaphore(%arg7 : memref<!tpu.dma_semaphore, #tpu.memory_space<semaphore_mem>>)
      %dma_wait3A = arith.constant 0 : i32
      %dma_wait3A_14 = arith.constant 0 : i32
      %dma_wait3A_15 = tpu.memref_slice %arg2[%dma_wait3A, %dma_wait3A_14] : memref<4096x32xf32, #tpu.memory_space<hbm>> -> memref<4096x32xf32, #tpu.memory_space<hbm>>
      tpu.wait_indirect_dma semaphore(%arg7 : memref<!tpu.dma_semaphore, #tpu.memory_space<semaphore_mem>>) src(%dma_wait3A_15 : memref<4096x32xf32, #tpu.memory_space<hbm>>) dst(%arg6 : memref<128x32xf32, #tpu.memory_space<vmem>>)
      "tpu.region"() ({
        %run_scoped3A = tpu.sem_alloc : memref<!tpu.dma_semaphore, #tpu.memory_space<semaphore_mem>>
        %dma_start3A_16 = arith.constant 0 : i32
        %dma_start3A_17 = tpu.memref_slice %arg4[%multiple_of3A, %dma_start3A_16] : memref<122880x32xf32, #tpu.memory_space<hbm>> -> memref<128x32xf32, #tpu.memory_space<hbm>>
        %dma_start3A_18 = arith.constant 0 : i32
        %dma_start3A_19 = tpu.memref_slice %arg4[%multiple_of3A, %dma_start3A_18] : memref<122880x32xf32, #tpu.memory_space<hbm>> -> memref<128x32xf32, #tpu.memory_space<hbm>>
        tpu.enqueue_dma source(%arg6 : memref<128x32xf32, #tpu.memory_space<vmem>>) target(%dma_start3A_19 : memref<128x32xf32, #tpu.memory_space<hbm>>) target_semaphore(%run_scoped3A : memref<!tpu.dma_semaphore, #tpu.memory_space<semaphore_mem>>)
        %dma_wait3A_20 = arith.constant 0 : i32
        %dma_wait3A_21 = tpu.memref_slice %arg4[%multiple_of3A, %dma_wait3A_20] : memref<122880x32xf32, #tpu.memory_space<hbm>> -> memref<128x32xf32, #tpu.memory_space<hbm>>
        %dma_wait3A_22 = arith.constant 0 : i32
        %dma_wait3A_23 = tpu.memref_slice %arg4[%multiple_of3A, %dma_wait3A_22] : memref<122880x32xf32, #tpu.memory_space<hbm>> -> memref<128x32xf32, #tpu.memory_space<hbm>>
        tpu.wait_dma2 semaphore(%run_scoped3A : memref<!tpu.dma_semaphore, #tpu.memory_space<semaphore_mem>>) src(%arg6 : memref<128x32xf32, #tpu.memory_space<vmem>>) dst(%dma_wait3A_23 : memref<128x32xf32, #tpu.memory_space<hbm>>)
        tpu.yield
      }) : () -> ()
    }
    %scan3A_7 = arith.constant 30 : i32
    return
  }
}

module attributes {stable_mosaic.version = 14 : i64} {
  func.func @_knn_kernel(%arg0: i32, %arg1: i32, %arg2: memref<1x256x3xf32, #tpu.memory_space<vmem>>, %arg3: memref<1x256x3xf32, #tpu.memory_space<vmem>>, %arg4: memref<1x256x3xf32, #tpu.memory_space<vmem>>, %arg5: memref<1x3x2048xf32, #tpu.memory_space<vmem>>, %arg6: memref<1x256x1xf32, #tpu.memory_space<vmem>>, %arg7: memref<1x256x1xf32, #tpu.memory_space<vmem>>, %arg8: memref<1x256x30xf32, #tpu.memory_space<vmem>>, %arg9: memref<1x256x30xi32, #tpu.memory_space<vmem>>, %arg10: memref<1x256x32xf32, #tpu.memory_space<vmem>>) attributes {dimension_semantics = [#tpu.dimension_semantics<parallel>, #tpu.dimension_semantics<parallel>], iteration_bounds = array<i64: 2, 8>, scalar_prefetch = 0 : i64, scratch_operands = 0 : i64, tpu.core_type = #tpu.core_type<tc>, window_params = [{transform_indices = @transform_0, window_bounds = array<i64: 1, 256, 3>}, {transform_indices = @transform_1, window_bounds = array<i64: 1, 256, 3>}, {transform_indices = @transform_2, window_bounds = array<i64: 1, 256, 3>}, {transform_indices = @transform_3, window_bounds = array<i64: 1, 3, 2048>}, {transform_indices = @transform_4, window_bounds = array<i64: 1, 256, 1>}, {transform_indices = @transform_5, window_bounds = array<i64: 1, 256, 1>}, {transform_indices = @transform_6, window_bounds = array<i64: 1, 256, 30>}, {transform_indices = @transform_7, window_bounds = array<i64: 1, 256, 30>}, {transform_indices = @transform_8, window_bounds = array<i64: 1, 256, 32>}]} {
    %get3A = arith.constant 0 : index
    %get3A_0 = arith.constant 0 : index
    %get3A_1 = arith.constant 0 : index
    %get3A_2 = vector.load %arg2[%get3A, %get3A_0, %get3A_1] : memref<1x256x3xf32, #tpu.memory_space<vmem>>, vector<1x256x3xf32>
    %get3A_3 = vector.shape_cast %get3A_2 : vector<1x256x3xf32> to vector<256x3xf32>
    %get3A_4 = arith.constant 0 : index
    %get3A_5 = arith.constant 0 : index
    %get3A_6 = arith.constant 0 : index
    %get3A_7 = vector.load %arg5[%get3A_4, %get3A_5, %get3A_6] : memref<1x3x2048xf32, #tpu.memory_space<vmem>>, vector<1x3x2048xf32>
    %get3A_8 = vector.shape_cast %get3A_7 : vector<1x3x2048xf32> to vector<3x2048xf32>
    %slice3A = vector.extract_strided_slice %get3A_3 {offsets = [0, 0], sizes = [256, 1], strides = [1, 1]} : vector<256x3xf32> to vector<256x1xf32>
    %slice3A_9 = vector.extract_strided_slice %get3A_8 {offsets = [0, 0], sizes = [1, 2048], strides = [1, 1]} : vector<3x2048xf32> to vector<1x2048xf32>
    %sub3A = vector.broadcast %slice3A : vector<256x1xf32> to vector<256x2048xf32>
    %sub3A_10 = vector.broadcast %slice3A_9 : vector<1x2048xf32> to vector<256x2048xf32>
    %sub3A_11 = arith.subf %sub3A, %sub3A_10 : vector<256x2048xf32>
    %slice3A_12 = vector.extract_strided_slice %get3A_3 {offsets = [0, 1], sizes = [256, 1], strides = [1, 1]} : vector<256x3xf32> to vector<256x1xf32>
    %slice3A_13 = vector.extract_strided_slice %get3A_8 {offsets = [1, 0], sizes = [1, 2048], strides = [1, 1]} : vector<3x2048xf32> to vector<1x2048xf32>
    %sub3A_14 = vector.broadcast %slice3A_12 : vector<256x1xf32> to vector<256x2048xf32>
    %sub3A_15 = vector.broadcast %slice3A_13 : vector<1x2048xf32> to vector<256x2048xf32>
    %sub3A_16 = arith.subf %sub3A_14, %sub3A_15 : vector<256x2048xf32>
    %slice3A_17 = vector.extract_strided_slice %get3A_3 {offsets = [0, 2], sizes = [256, 1], strides = [1, 1]} : vector<256x3xf32> to vector<256x1xf32>
    %slice3A_18 = vector.extract_strided_slice %get3A_8 {offsets = [2, 0], sizes = [1, 2048], strides = [1, 1]} : vector<3x2048xf32> to vector<1x2048xf32>
    %sub3A_19 = vector.broadcast %slice3A_17 : vector<256x1xf32> to vector<256x2048xf32>
    %sub3A_20 = vector.broadcast %slice3A_18 : vector<1x2048xf32> to vector<256x2048xf32>
    %sub3A_21 = arith.subf %sub3A_19, %sub3A_20 : vector<256x2048xf32>
    %mul3A = arith.mulf %sub3A_11, %sub3A_11 : vector<256x2048xf32>
    %mul3A_22 = arith.mulf %sub3A_16, %sub3A_16 : vector<256x2048xf32>
    %add3A = arith.addf %mul3A, %mul3A_22 : vector<256x2048xf32>
    %mul3A_23 = arith.mulf %sub3A_21, %sub3A_21 : vector<256x2048xf32>
    %add3A_24 = arith.addf %add3A, %mul3A_23 : vector<256x2048xf32>
    %add3A_25 = arith.constant 9.99999997E-7 : f32
    %add3A_26 = vector.broadcast %add3A_25 : f32 to vector<256x2048xf32>
    %add3A_27 = arith.addf %add3A_24, %add3A_26 : vector<256x2048xf32>
    %sqrt3A = math.sqrt %add3A_27 : vector<256x2048xf32>
    %iota3A = tpu.iota {dimensions = array<i32: 1>} : vector<256x2048xi32>
    %reduce_min3A = arith.constant dense<0x7F800000> : vector<256xf32>
    %reduce_min3A_28 = vector.multi_reduction <minimumf>, %sqrt3A, %reduce_min3A [1] : vector<256x2048xf32> to vector<256xf32>
    %broadcast_in_dim3A = vector.shape_cast %reduce_min3A_28 : vector<256xf32> to vector<256x1xf32>
    %eq3A = vector.broadcast %broadcast_in_dim3A : vector<256x1xf32> to vector<256x2048xf32>
    %eq3A_29 = arith.cmpf oeq, %sqrt3A, %eq3A : vector<256x2048xf32>
    %jit3A = arith.constant 2048 : i32
    %broadcast_in_dim3A_30 = vector.broadcast %jit3A : i32 to vector<256x2048xi32>
    %select_n3A = arith.select %eq3A_29, %iota3A, %broadcast_in_dim3A_30 : vector<256x2048xi1>, vector<256x2048xi32>
    %reduce_min3A_31 = arith.constant dense<2147483647> : vector<256xi32>
    %reduce_min3A_32 = vector.multi_reduction <minsi>, %select_n3A, %reduce_min3A_31 [1] : vector<256x2048xi32> to vector<256xi32>
    %broadcast_in_dim3A_33 = vector.shape_cast %reduce_min3A_32 : vector<256xi32> to vector<256x1xi32>
    %eq3A_34 = vector.broadcast %broadcast_in_dim3A_33 : vector<256x1xi32> to vector<256x2048xi32>
    %eq3A_35 = arith.cmpi eq, %iota3A, %eq3A_34 : vector<256x2048xi32>
    %jit3A_36 = arith.constant 0x7F800000 : f32
    %broadcast_in_dim3A_37 = vector.broadcast %jit3A_36 : f32 to vector<256x2048xf32>
    %select_n3A_38 = arith.select %eq3A_35, %broadcast_in_dim3A_37, %sqrt3A : vector<256x2048xi1>, vector<256x2048xf32>
    %reduce_min3A_39 = arith.constant dense<0x7F800000> : vector<256xf32>
    %reduce_min3A_40 = vector.multi_reduction <minimumf>, %select_n3A_38, %reduce_min3A_39 [1] : vector<256x2048xf32> to vector<256xf32>
    %broadcast_in_dim3A_41 = vector.shape_cast %reduce_min3A_40 : vector<256xf32> to vector<256x1xf32>
    %eq3A_42 = vector.broadcast %broadcast_in_dim3A_41 : vector<256x1xf32> to vector<256x2048xf32>
    %eq3A_43 = arith.cmpf oeq, %select_n3A_38, %eq3A_42 : vector<256x2048xf32>
    %jit3A_44 = arith.constant 2048 : i32
    %broadcast_in_dim3A_45 = vector.broadcast %jit3A_44 : i32 to vector<256x2048xi32>
    %select_n3A_46 = arith.select %eq3A_43, %iota3A, %broadcast_in_dim3A_45 : vector<256x2048xi1>, vector<256x2048xi32>
    %reduce_min3A_47 = arith.constant dense<2147483647> : vector<256xi32>
    %reduce_min3A_48 = vector.multi_reduction <minsi>, %select_n3A_46, %reduce_min3A_47 [1] : vector<256x2048xi32> to vector<256xi32>
    %broadcast_in_dim3A_49 = vector.shape_cast %reduce_min3A_48 : vector<256xi32> to vector<256x1xi32>
    %eq3A_50 = vector.broadcast %broadcast_in_dim3A_49 : vector<256x1xi32> to vector<256x2048xi32>
    %eq3A_51 = arith.cmpi eq, %iota3A, %eq3A_50 : vector<256x2048xi32>
    %jit3A_52 = arith.constant 0x7F800000 : f32
    %broadcast_in_dim3A_53 = vector.broadcast %jit3A_52 : f32 to vector<256x2048xf32>
    %select_n3A_54 = arith.select %eq3A_51, %broadcast_in_dim3A_53, %select_n3A_38 : vector<256x2048xi1>, vector<256x2048xf32>
    %reduce_min3A_55 = arith.constant dense<0x7F800000> : vector<256xf32>
    %reduce_min3A_56 = vector.multi_reduction <minimumf>, %select_n3A_54, %reduce_min3A_55 [1] : vector<256x2048xf32> to vector<256xf32>
    %broadcast_in_dim3A_57 = vector.shape_cast %reduce_min3A_56 : vector<256xf32> to vector<256x1xf32>
    %eq3A_58 = vector.broadcast %broadcast_in_dim3A_57 : vector<256x1xf32> to vector<256x2048xf32>
    %eq3A_59 = arith.cmpf oeq, %select_n3A_54, %eq3A_58 : vector<256x2048xf32>
    %jit3A_60 = arith.constant 2048 : i32
    %broadcast_in_dim3A_61 = vector.broadcast %jit3A_60 : i32 to vector<256x2048xi32>
    %select_n3A_62 = arith.select %eq3A_59, %iota3A, %broadcast_in_dim3A_61 : vector<256x2048xi1>, vector<256x2048xi32>
    %reduce_min3A_63 = arith.constant dense<2147483647> : vector<256xi32>
    %reduce_min3A_64 = vector.multi_reduction <minsi>, %select_n3A_62, %reduce_min3A_63 [1] : vector<256x2048xi32> to vector<256xi32>
    %broadcast_in_dim3A_65 = vector.shape_cast %reduce_min3A_64 : vector<256xi32> to vector<256x1xi32>
    %eq3A_66 = vector.broadcast %broadcast_in_dim3A_65 : vector<256x1xi32> to vector<256x2048xi32>
    %eq3A_67 = arith.cmpi eq, %iota3A, %eq3A_66 : vector<256x2048xi32>
    %jit3A_68 = arith.constant 0x7F800000 : f32
    %broadcast_in_dim3A_69 = vector.broadcast %jit3A_68 : f32 to vector<256x2048xf32>
    %select_n3A_70 = arith.select %eq3A_67, %broadcast_in_dim3A_69, %select_n3A_54 : vector<256x2048xi1>, vector<256x2048xf32>
    %reduce_min3A_71 = arith.constant dense<0x7F800000> : vector<256xf32>
    %reduce_min3A_72 = vector.multi_reduction <minimumf>, %select_n3A_70, %reduce_min3A_71 [1] : vector<256x2048xf32> to vector<256xf32>
    %broadcast_in_dim3A_73 = vector.shape_cast %reduce_min3A_72 : vector<256xf32> to vector<256x1xf32>
    %eq3A_74 = vector.broadcast %broadcast_in_dim3A_73 : vector<256x1xf32> to vector<256x2048xf32>
    %eq3A_75 = arith.cmpf oeq, %select_n3A_70, %eq3A_74 : vector<256x2048xf32>
    %jit3A_76 = arith.constant 2048 : i32
    %broadcast_in_dim3A_77 = vector.broadcast %jit3A_76 : i32 to vector<256x2048xi32>
    %select_n3A_78 = arith.select %eq3A_75, %iota3A, %broadcast_in_dim3A_77 : vector<256x2048xi1>, vector<256x2048xi32>
    %reduce_min3A_79 = arith.constant dense<2147483647> : vector<256xi32>
    %reduce_min3A_80 = vector.multi_reduction <minsi>, %select_n3A_78, %reduce_min3A_79 [1] : vector<256x2048xi32> to vector<256xi32>
    %broadcast_in_dim3A_81 = vector.shape_cast %reduce_min3A_80 : vector<256xi32> to vector<256x1xi32>
    %eq3A_82 = vector.broadcast %broadcast_in_dim3A_81 : vector<256x1xi32> to vector<256x2048xi32>
    %eq3A_83 = arith.cmpi eq, %iota3A, %eq3A_82 : vector<256x2048xi32>
    %jit3A_84 = arith.constant 0x7F800000 : f32
    %broadcast_in_dim3A_85 = vector.broadcast %jit3A_84 : f32 to vector<256x2048xf32>
    %select_n3A_86 = arith.select %eq3A_83, %broadcast_in_dim3A_85, %select_n3A_70 : vector<256x2048xi1>, vector<256x2048xf32>
    %reduce_min3A_87 = arith.constant dense<0x7F800000> : vector<256xf32>
    %reduce_min3A_88 = vector.multi_reduction <minimumf>, %select_n3A_86, %reduce_min3A_87 [1] : vector<256x2048xf32> to vector<256xf32>
    %broadcast_in_dim3A_89 = vector.shape_cast %reduce_min3A_88 : vector<256xf32> to vector<256x1xf32>
    %eq3A_90 = vector.broadcast %broadcast_in_dim3A_89 : vector<256x1xf32> to vector<256x2048xf32>
    %eq3A_91 = arith.cmpf oeq, %select_n3A_86, %eq3A_90 : vector<256x2048xf32>
    %jit3A_92 = arith.constant 2048 : i32
    %broadcast_in_dim3A_93 = vector.broadcast %jit3A_92 : i32 to vector<256x2048xi32>
    %select_n3A_94 = arith.select %eq3A_91, %iota3A, %broadcast_in_dim3A_93 : vector<256x2048xi1>, vector<256x2048xi32>
    %reduce_min3A_95 = arith.constant dense<2147483647> : vector<256xi32>
    %reduce_min3A_96 = vector.multi_reduction <minsi>, %select_n3A_94, %reduce_min3A_95 [1] : vector<256x2048xi32> to vector<256xi32>
    %broadcast_in_dim3A_97 = vector.shape_cast %reduce_min3A_96 : vector<256xi32> to vector<256x1xi32>
    %eq3A_98 = vector.broadcast %broadcast_in_dim3A_97 : vector<256x1xi32> to vector<256x2048xi32>
    %eq3A_99 = arith.cmpi eq, %iota3A, %eq3A_98 : vector<256x2048xi32>
    %jit3A_100 = arith.constant 0x7F800000 : f32
    %broadcast_in_dim3A_101 = vector.broadcast %jit3A_100 : f32 to vector<256x2048xf32>
    %select_n3A_102 = arith.select %eq3A_99, %broadcast_in_dim3A_101, %select_n3A_86 : vector<256x2048xi1>, vector<256x2048xf32>
    %reduce_min3A_103 = arith.constant dense<0x7F800000> : vector<256xf32>
    %reduce_min3A_104 = vector.multi_reduction <minimumf>, %select_n3A_102, %reduce_min3A_103 [1] : vector<256x2048xf32> to vector<256xf32>
    %broadcast_in_dim3A_105 = vector.shape_cast %reduce_min3A_104 : vector<256xf32> to vector<256x1xf32>
    %eq3A_106 = vector.broadcast %broadcast_in_dim3A_105 : vector<256x1xf32> to vector<256x2048xf32>
    %eq3A_107 = arith.cmpf oeq, %select_n3A_102, %eq3A_106 : vector<256x2048xf32>
    %jit3A_108 = arith.constant 2048 : i32
    %broadcast_in_dim3A_109 = vector.broadcast %jit3A_108 : i32 to vector<256x2048xi32>
    %select_n3A_110 = arith.select %eq3A_107, %iota3A, %broadcast_in_dim3A_109 : vector<256x2048xi1>, vector<256x2048xi32>
    %reduce_min3A_111 = arith.constant dense<2147483647> : vector<256xi32>
    %reduce_min3A_112 = vector.multi_reduction <minsi>, %select_n3A_110, %reduce_min3A_111 [1] : vector<256x2048xi32> to vector<256xi32>
    %broadcast_in_dim3A_113 = vector.shape_cast %reduce_min3A_112 : vector<256xi32> to vector<256x1xi32>
    %eq3A_114 = vector.broadcast %broadcast_in_dim3A_113 : vector<256x1xi32> to vector<256x2048xi32>
    %eq3A_115 = arith.cmpi eq, %iota3A, %eq3A_114 : vector<256x2048xi32>
    %jit3A_116 = arith.constant 0x7F800000 : f32
    %broadcast_in_dim3A_117 = vector.broadcast %jit3A_116 : f32 to vector<256x2048xf32>
    %select_n3A_118 = arith.select %eq3A_115, %broadcast_in_dim3A_117, %select_n3A_102 : vector<256x2048xi1>, vector<256x2048xf32>
    %reduce_min3A_119 = arith.constant dense<0x7F800000> : vector<256xf32>
    %reduce_min3A_120 = vector.multi_reduction <minimumf>, %select_n3A_118, %reduce_min3A_119 [1] : vector<256x2048xf32> to vector<256xf32>
    %broadcast_in_dim3A_121 = vector.shape_cast %reduce_min3A_120 : vector<256xf32> to vector<256x1xf32>
    %eq3A_122 = vector.broadcast %broadcast_in_dim3A_121 : vector<256x1xf32> to vector<256x2048xf32>
    %eq3A_123 = arith.cmpf oeq, %select_n3A_118, %eq3A_122 : vector<256x2048xf32>
    %jit3A_124 = arith.constant 2048 : i32
    %broadcast_in_dim3A_125 = vector.broadcast %jit3A_124 : i32 to vector<256x2048xi32>
    %select_n3A_126 = arith.select %eq3A_123, %iota3A, %broadcast_in_dim3A_125 : vector<256x2048xi1>, vector<256x2048xi32>
    %reduce_min3A_127 = arith.constant dense<2147483647> : vector<256xi32>
    %reduce_min3A_128 = vector.multi_reduction <minsi>, %select_n3A_126, %reduce_min3A_127 [1] : vector<256x2048xi32> to vector<256xi32>
    %broadcast_in_dim3A_129 = vector.shape_cast %reduce_min3A_128 : vector<256xi32> to vector<256x1xi32>
    %eq3A_130 = vector.broadcast %broadcast_in_dim3A_129 : vector<256x1xi32> to vector<256x2048xi32>
    %eq3A_131 = arith.cmpi eq, %iota3A, %eq3A_130 : vector<256x2048xi32>
    %jit3A_132 = arith.constant 0x7F800000 : f32
    %broadcast_in_dim3A_133 = vector.broadcast %jit3A_132 : f32 to vector<256x2048xf32>
    %select_n3A_134 = arith.select %eq3A_131, %broadcast_in_dim3A_133, %select_n3A_118 : vector<256x2048xi1>, vector<256x2048xf32>
    %reduce_min3A_135 = arith.constant dense<0x7F800000> : vector<256xf32>
    %reduce_min3A_136 = vector.multi_reduction <minimumf>, %select_n3A_134, %reduce_min3A_135 [1] : vector<256x2048xf32> to vector<256xf32>
    %broadcast_in_dim3A_137 = vector.shape_cast %reduce_min3A_136 : vector<256xf32> to vector<256x1xf32>
    %eq3A_138 = vector.broadcast %broadcast_in_dim3A_137 : vector<256x1xf32> to vector<256x2048xf32>
    %eq3A_139 = arith.cmpf oeq, %select_n3A_134, %eq3A_138 : vector<256x2048xf32>
    %jit3A_140 = arith.constant 2048 : i32
    %broadcast_in_dim3A_141 = vector.broadcast %jit3A_140 : i32 to vector<256x2048xi32>
    %select_n3A_142 = arith.select %eq3A_139, %iota3A, %broadcast_in_dim3A_141 : vector<256x2048xi1>, vector<256x2048xi32>
    %reduce_min3A_143 = arith.constant dense<2147483647> : vector<256xi32>
    %reduce_min3A_144 = vector.multi_reduction <minsi>, %select_n3A_142, %reduce_min3A_143 [1] : vector<256x2048xi32> to vector<256xi32>
    %broadcast_in_dim3A_145 = vector.shape_cast %reduce_min3A_144 : vector<256xi32> to vector<256x1xi32>
    %eq3A_146 = vector.broadcast %broadcast_in_dim3A_145 : vector<256x1xi32> to vector<256x2048xi32>
    %eq3A_147 = arith.cmpi eq, %iota3A, %eq3A_146 : vector<256x2048xi32>
    %jit3A_148 = arith.constant 0x7F800000 : f32
    %broadcast_in_dim3A_149 = vector.broadcast %jit3A_148 : f32 to vector<256x2048xf32>
    %select_n3A_150 = arith.select %eq3A_147, %broadcast_in_dim3A_149, %select_n3A_134 : vector<256x2048xi1>, vector<256x2048xf32>
    %reduce_min3A_151 = arith.constant dense<0x7F800000> : vector<256xf32>
    %reduce_min3A_152 = vector.multi_reduction <minimumf>, %select_n3A_150, %reduce_min3A_151 [1] : vector<256x2048xf32> to vector<256xf32>
    %broadcast_in_dim3A_153 = vector.shape_cast %reduce_min3A_152 : vector<256xf32> to vector<256x1xf32>
    %eq3A_154 = vector.broadcast %broadcast_in_dim3A_153 : vector<256x1xf32> to vector<256x2048xf32>
    %eq3A_155 = arith.cmpf oeq, %select_n3A_150, %eq3A_154 : vector<256x2048xf32>
    %jit3A_156 = arith.constant 2048 : i32
    %broadcast_in_dim3A_157 = vector.broadcast %jit3A_156 : i32 to vector<256x2048xi32>
    %select_n3A_158 = arith.select %eq3A_155, %iota3A, %broadcast_in_dim3A_157 : vector<256x2048xi1>, vector<256x2048xi32>
    %reduce_min3A_159 = arith.constant dense<2147483647> : vector<256xi32>
    %reduce_min3A_160 = vector.multi_reduction <minsi>, %select_n3A_158, %reduce_min3A_159 [1] : vector<256x2048xi32> to vector<256xi32>
    %broadcast_in_dim3A_161 = vector.shape_cast %reduce_min3A_160 : vector<256xi32> to vector<256x1xi32>
    %eq3A_162 = vector.broadcast %broadcast_in_dim3A_161 : vector<256x1xi32> to vector<256x2048xi32>
    %eq3A_163 = arith.cmpi eq, %iota3A, %eq3A_162 : vector<256x2048xi32>
    %jit3A_164 = arith.constant 0x7F800000 : f32
    %broadcast_in_dim3A_165 = vector.broadcast %jit3A_164 : f32 to vector<256x2048xf32>
    %select_n3A_166 = arith.select %eq3A_163, %broadcast_in_dim3A_165, %select_n3A_150 : vector<256x2048xi1>, vector<256x2048xf32>
    %reduce_min3A_167 = arith.constant dense<0x7F800000> : vector<256xf32>
    %reduce_min3A_168 = vector.multi_reduction <minimumf>, %select_n3A_166, %reduce_min3A_167 [1] : vector<256x2048xf32> to vector<256xf32>
    %broadcast_in_dim3A_169 = vector.shape_cast %reduce_min3A_168 : vector<256xf32> to vector<256x1xf32>
    %eq3A_170 = vector.broadcast %broadcast_in_dim3A_169 : vector<256x1xf32> to vector<256x2048xf32>
    %eq3A_171 = arith.cmpf oeq, %select_n3A_166, %eq3A_170 : vector<256x2048xf32>
    %jit3A_172 = arith.constant 2048 : i32
    %broadcast_in_dim3A_173 = vector.broadcast %jit3A_172 : i32 to vector<256x2048xi32>
    %select_n3A_174 = arith.select %eq3A_171, %iota3A, %broadcast_in_dim3A_173 : vector<256x2048xi1>, vector<256x2048xi32>
    %reduce_min3A_175 = arith.constant dense<2147483647> : vector<256xi32>
    %reduce_min3A_176 = vector.multi_reduction <minsi>, %select_n3A_174, %reduce_min3A_175 [1] : vector<256x2048xi32> to vector<256xi32>
    %broadcast_in_dim3A_177 = vector.shape_cast %reduce_min3A_176 : vector<256xi32> to vector<256x1xi32>
    %eq3A_178 = vector.broadcast %broadcast_in_dim3A_177 : vector<256x1xi32> to vector<256x2048xi32>
    %eq3A_179 = arith.cmpi eq, %iota3A, %eq3A_178 : vector<256x2048xi32>
    %jit3A_180 = arith.constant 0x7F800000 : f32
    %broadcast_in_dim3A_181 = vector.broadcast %jit3A_180 : f32 to vector<256x2048xf32>
    %select_n3A_182 = arith.select %eq3A_179, %broadcast_in_dim3A_181, %select_n3A_166 : vector<256x2048xi1>, vector<256x2048xf32>
    %reduce_min3A_183 = arith.constant dense<0x7F800000> : vector<256xf32>
    %reduce_min3A_184 = vector.multi_reduction <minimumf>, %select_n3A_182, %reduce_min3A_183 [1] : vector<256x2048xf32> to vector<256xf32>
    %broadcast_in_dim3A_185 = vector.shape_cast %reduce_min3A_184 : vector<256xf32> to vector<256x1xf32>
    %eq3A_186 = vector.broadcast %broadcast_in_dim3A_185 : vector<256x1xf32> to vector<256x2048xf32>
    %eq3A_187 = arith.cmpf oeq, %select_n3A_182, %eq3A_186 : vector<256x2048xf32>
    %jit3A_188 = arith.constant 2048 : i32
    %broadcast_in_dim3A_189 = vector.broadcast %jit3A_188 : i32 to vector<256x2048xi32>
    %select_n3A_190 = arith.select %eq3A_187, %iota3A, %broadcast_in_dim3A_189 : vector<256x2048xi1>, vector<256x2048xi32>
    %reduce_min3A_191 = arith.constant dense<2147483647> : vector<256xi32>
    %reduce_min3A_192 = vector.multi_reduction <minsi>, %select_n3A_190, %reduce_min3A_191 [1] : vector<256x2048xi32> to vector<256xi32>
    %broadcast_in_dim3A_193 = vector.shape_cast %reduce_min3A_192 : vector<256xi32> to vector<256x1xi32>
    %eq3A_194 = vector.broadcast %broadcast_in_dim3A_193 : vector<256x1xi32> to vector<256x2048xi32>
    %eq3A_195 = arith.cmpi eq, %iota3A, %eq3A_194 : vector<256x2048xi32>
    %jit3A_196 = arith.constant 0x7F800000 : f32
    %broadcast_in_dim3A_197 = vector.broadcast %jit3A_196 : f32 to vector<256x2048xf32>
    %select_n3A_198 = arith.select %eq3A_195, %broadcast_in_dim3A_197, %select_n3A_182 : vector<256x2048xi1>, vector<256x2048xf32>
    %reduce_min3A_199 = arith.constant dense<0x7F800000> : vector<256xf32>
    %reduce_min3A_200 = vector.multi_reduction <minimumf>, %select_n3A_198, %reduce_min3A_199 [1] : vector<256x2048xf32> to vector<256xf32>
    %broadcast_in_dim3A_201 = vector.shape_cast %reduce_min3A_200 : vector<256xf32> to vector<256x1xf32>
    %eq3A_202 = vector.broadcast %broadcast_in_dim3A_201 : vector<256x1xf32> to vector<256x2048xf32>
    %eq3A_203 = arith.cmpf oeq, %select_n3A_198, %eq3A_202 : vector<256x2048xf32>
    %jit3A_204 = arith.constant 2048 : i32
    %broadcast_in_dim3A_205 = vector.broadcast %jit3A_204 : i32 to vector<256x2048xi32>
    %select_n3A_206 = arith.select %eq3A_203, %iota3A, %broadcast_in_dim3A_205 : vector<256x2048xi1>, vector<256x2048xi32>
    %reduce_min3A_207 = arith.constant dense<2147483647> : vector<256xi32>
    %reduce_min3A_208 = vector.multi_reduction <minsi>, %select_n3A_206, %reduce_min3A_207 [1] : vector<256x2048xi32> to vector<256xi32>
    %broadcast_in_dim3A_209 = vector.shape_cast %reduce_min3A_208 : vector<256xi32> to vector<256x1xi32>
    %eq3A_210 = vector.broadcast %broadcast_in_dim3A_209 : vector<256x1xi32> to vector<256x2048xi32>
    %eq3A_211 = arith.cmpi eq, %iota3A, %eq3A_210 : vector<256x2048xi32>
    %jit3A_212 = arith.constant 0x7F800000 : f32
    %broadcast_in_dim3A_213 = vector.broadcast %jit3A_212 : f32 to vector<256x2048xf32>
    %select_n3A_214 = arith.select %eq3A_211, %broadcast_in_dim3A_213, %select_n3A_198 : vector<256x2048xi1>, vector<256x2048xf32>
    %reduce_min3A_215 = arith.constant dense<0x7F800000> : vector<256xf32>
    %reduce_min3A_216 = vector.multi_reduction <minimumf>, %select_n3A_214, %reduce_min3A_215 [1] : vector<256x2048xf32> to vector<256xf32>
    %broadcast_in_dim3A_217 = vector.shape_cast %reduce_min3A_216 : vector<256xf32> to vector<256x1xf32>
    %eq3A_218 = vector.broadcast %broadcast_in_dim3A_217 : vector<256x1xf32> to vector<256x2048xf32>
    %eq3A_219 = arith.cmpf oeq, %select_n3A_214, %eq3A_218 : vector<256x2048xf32>
    %jit3A_220 = arith.constant 2048 : i32
    %broadcast_in_dim3A_221 = vector.broadcast %jit3A_220 : i32 to vector<256x2048xi32>
    %select_n3A_222 = arith.select %eq3A_219, %iota3A, %broadcast_in_dim3A_221 : vector<256x2048xi1>, vector<256x2048xi32>
    %reduce_min3A_223 = arith.constant dense<2147483647> : vector<256xi32>
    %reduce_min3A_224 = vector.multi_reduction <minsi>, %select_n3A_222, %reduce_min3A_223 [1] : vector<256x2048xi32> to vector<256xi32>
    %broadcast_in_dim3A_225 = vector.shape_cast %reduce_min3A_224 : vector<256xi32> to vector<256x1xi32>
    %eq3A_226 = vector.broadcast %broadcast_in_dim3A_225 : vector<256x1xi32> to vector<256x2048xi32>
    %eq3A_227 = arith.cmpi eq, %iota3A, %eq3A_226 : vector<256x2048xi32>
    %jit3A_228 = arith.constant 0x7F800000 : f32
    %broadcast_in_dim3A_229 = vector.broadcast %jit3A_228 : f32 to vector<256x2048xf32>
    %select_n3A_230 = arith.select %eq3A_227, %broadcast_in_dim3A_229, %select_n3A_214 : vector<256x2048xi1>, vector<256x2048xf32>
    %reduce_min3A_231 = arith.constant dense<0x7F800000> : vector<256xf32>
    %reduce_min3A_232 = vector.multi_reduction <minimumf>, %select_n3A_230, %reduce_min3A_231 [1] : vector<256x2048xf32> to vector<256xf32>
    %broadcast_in_dim3A_233 = vector.shape_cast %reduce_min3A_232 : vector<256xf32> to vector<256x1xf32>
    %eq3A_234 = vector.broadcast %broadcast_in_dim3A_233 : vector<256x1xf32> to vector<256x2048xf32>
    %eq3A_235 = arith.cmpf oeq, %select_n3A_230, %eq3A_234 : vector<256x2048xf32>
    %jit3A_236 = arith.constant 2048 : i32
    %broadcast_in_dim3A_237 = vector.broadcast %jit3A_236 : i32 to vector<256x2048xi32>
    %select_n3A_238 = arith.select %eq3A_235, %iota3A, %broadcast_in_dim3A_237 : vector<256x2048xi1>, vector<256x2048xi32>
    %reduce_min3A_239 = arith.constant dense<2147483647> : vector<256xi32>
    %reduce_min3A_240 = vector.multi_reduction <minsi>, %select_n3A_238, %reduce_min3A_239 [1] : vector<256x2048xi32> to vector<256xi32>
    %broadcast_in_dim3A_241 = vector.shape_cast %reduce_min3A_240 : vector<256xi32> to vector<256x1xi32>
    %eq3A_242 = vector.broadcast %broadcast_in_dim3A_241 : vector<256x1xi32> to vector<256x2048xi32>
    %eq3A_243 = arith.cmpi eq, %iota3A, %eq3A_242 : vector<256x2048xi32>
    %jit3A_244 = arith.constant 0x7F800000 : f32
    %broadcast_in_dim3A_245 = vector.broadcast %jit3A_244 : f32 to vector<256x2048xf32>
    %select_n3A_246 = arith.select %eq3A_243, %broadcast_in_dim3A_245, %select_n3A_230 : vector<256x2048xi1>, vector<256x2048xf32>
    %reduce_min3A_247 = arith.constant dense<0x7F800000> : vector<256xf32>
    %reduce_min3A_248 = vector.multi_reduction <minimumf>, %select_n3A_246, %reduce_min3A_247 [1] : vector<256x2048xf32> to vector<256xf32>
    %broadcast_in_dim3A_249 = vector.shape_cast %reduce_min3A_248 : vector<256xf32> to vector<256x1xf32>
    %eq3A_250 = vector.broadcast %broadcast_in_dim3A_249 : vector<256x1xf32> to vector<256x2048xf32>
    %eq3A_251 = arith.cmpf oeq, %select_n3A_246, %eq3A_250 : vector<256x2048xf32>
    %jit3A_252 = arith.constant 2048 : i32
    %broadcast_in_dim3A_253 = vector.broadcast %jit3A_252 : i32 to vector<256x2048xi32>
    %select_n3A_254 = arith.select %eq3A_251, %iota3A, %broadcast_in_dim3A_253 : vector<256x2048xi1>, vector<256x2048xi32>
    %reduce_min3A_255 = arith.constant dense<2147483647> : vector<256xi32>
    %reduce_min3A_256 = vector.multi_reduction <minsi>, %select_n3A_254, %reduce_min3A_255 [1] : vector<256x2048xi32> to vector<256xi32>
    %broadcast_in_dim3A_257 = vector.shape_cast %reduce_min3A_256 : vector<256xi32> to vector<256x1xi32>
    %eq3A_258 = vector.broadcast %broadcast_in_dim3A_257 : vector<256x1xi32> to vector<256x2048xi32>
    %eq3A_259 = arith.cmpi eq, %iota3A, %eq3A_258 : vector<256x2048xi32>
    %jit3A_260 = arith.constant 0x7F800000 : f32
    %broadcast_in_dim3A_261 = vector.broadcast %jit3A_260 : f32 to vector<256x2048xf32>
    %select_n3A_262 = arith.select %eq3A_259, %broadcast_in_dim3A_261, %select_n3A_246 : vector<256x2048xi1>, vector<256x2048xf32>
    %reduce_min3A_263 = arith.constant dense<0x7F800000> : vector<256xf32>
    %reduce_min3A_264 = vector.multi_reduction <minimumf>, %select_n3A_262, %reduce_min3A_263 [1] : vector<256x2048xf32> to vector<256xf32>
    %broadcast_in_dim3A_265 = vector.shape_cast %reduce_min3A_264 : vector<256xf32> to vector<256x1xf32>
    %eq3A_266 = vector.broadcast %broadcast_in_dim3A_265 : vector<256x1xf32> to vector<256x2048xf32>
    %eq3A_267 = arith.cmpf oeq, %select_n3A_262, %eq3A_266 : vector<256x2048xf32>
    %jit3A_268 = arith.constant 2048 : i32
    %broadcast_in_dim3A_269 = vector.broadcast %jit3A_268 : i32 to vector<256x2048xi32>
    %select_n3A_270 = arith.select %eq3A_267, %iota3A, %broadcast_in_dim3A_269 : vector<256x2048xi1>, vector<256x2048xi32>
    %reduce_min3A_271 = arith.constant dense<2147483647> : vector<256xi32>
    %reduce_min3A_272 = vector.multi_reduction <minsi>, %select_n3A_270, %reduce_min3A_271 [1] : vector<256x2048xi32> to vector<256xi32>
    %broadcast_in_dim3A_273 = vector.shape_cast %reduce_min3A_272 : vector<256xi32> to vector<256x1xi32>
    %eq3A_274 = vector.broadcast %broadcast_in_dim3A_273 : vector<256x1xi32> to vector<256x2048xi32>
    %eq3A_275 = arith.cmpi eq, %iota3A, %eq3A_274 : vector<256x2048xi32>
    %jit3A_276 = arith.constant 0x7F800000 : f32
    %broadcast_in_dim3A_277 = vector.broadcast %jit3A_276 : f32 to vector<256x2048xf32>
    %select_n3A_278 = arith.select %eq3A_275, %broadcast_in_dim3A_277, %select_n3A_262 : vector<256x2048xi1>, vector<256x2048xf32>
    %reduce_min3A_279 = arith.constant dense<0x7F800000> : vector<256xf32>
    %reduce_min3A_280 = vector.multi_reduction <minimumf>, %select_n3A_278, %reduce_min3A_279 [1] : vector<256x2048xf32> to vector<256xf32>
    %broadcast_in_dim3A_281 = vector.shape_cast %reduce_min3A_280 : vector<256xf32> to vector<256x1xf32>
    %eq3A_282 = vector.broadcast %broadcast_in_dim3A_281 : vector<256x1xf32> to vector<256x2048xf32>
    %eq3A_283 = arith.cmpf oeq, %select_n3A_278, %eq3A_282 : vector<256x2048xf32>
    %jit3A_284 = arith.constant 2048 : i32
    %broadcast_in_dim3A_285 = vector.broadcast %jit3A_284 : i32 to vector<256x2048xi32>
    %select_n3A_286 = arith.select %eq3A_283, %iota3A, %broadcast_in_dim3A_285 : vector<256x2048xi1>, vector<256x2048xi32>
    %reduce_min3A_287 = arith.constant dense<2147483647> : vector<256xi32>
    %reduce_min3A_288 = vector.multi_reduction <minsi>, %select_n3A_286, %reduce_min3A_287 [1] : vector<256x2048xi32> to vector<256xi32>
    %broadcast_in_dim3A_289 = vector.shape_cast %reduce_min3A_288 : vector<256xi32> to vector<256x1xi32>
    %eq3A_290 = vector.broadcast %broadcast_in_dim3A_289 : vector<256x1xi32> to vector<256x2048xi32>
    %eq3A_291 = arith.cmpi eq, %iota3A, %eq3A_290 : vector<256x2048xi32>
    %jit3A_292 = arith.constant 0x7F800000 : f32
    %broadcast_in_dim3A_293 = vector.broadcast %jit3A_292 : f32 to vector<256x2048xf32>
    %select_n3A_294 = arith.select %eq3A_291, %broadcast_in_dim3A_293, %select_n3A_278 : vector<256x2048xi1>, vector<256x2048xf32>
    %reduce_min3A_295 = arith.constant dense<0x7F800000> : vector<256xf32>
    %reduce_min3A_296 = vector.multi_reduction <minimumf>, %select_n3A_294, %reduce_min3A_295 [1] : vector<256x2048xf32> to vector<256xf32>
    %broadcast_in_dim3A_297 = vector.shape_cast %reduce_min3A_296 : vector<256xf32> to vector<256x1xf32>
    %eq3A_298 = vector.broadcast %broadcast_in_dim3A_297 : vector<256x1xf32> to vector<256x2048xf32>
    %eq3A_299 = arith.cmpf oeq, %select_n3A_294, %eq3A_298 : vector<256x2048xf32>
    %jit3A_300 = arith.constant 2048 : i32
    %broadcast_in_dim3A_301 = vector.broadcast %jit3A_300 : i32 to vector<256x2048xi32>
    %select_n3A_302 = arith.select %eq3A_299, %iota3A, %broadcast_in_dim3A_301 : vector<256x2048xi1>, vector<256x2048xi32>
    %reduce_min3A_303 = arith.constant dense<2147483647> : vector<256xi32>
    %reduce_min3A_304 = vector.multi_reduction <minsi>, %select_n3A_302, %reduce_min3A_303 [1] : vector<256x2048xi32> to vector<256xi32>
    %broadcast_in_dim3A_305 = vector.shape_cast %reduce_min3A_304 : vector<256xi32> to vector<256x1xi32>
    %eq3A_306 = vector.broadcast %broadcast_in_dim3A_305 : vector<256x1xi32> to vector<256x2048xi32>
    %eq3A_307 = arith.cmpi eq, %iota3A, %eq3A_306 : vector<256x2048xi32>
    %jit3A_308 = arith.constant 0x7F800000 : f32
    %broadcast_in_dim3A_309 = vector.broadcast %jit3A_308 : f32 to vector<256x2048xf32>
    %select_n3A_310 = arith.select %eq3A_307, %broadcast_in_dim3A_309, %select_n3A_294 : vector<256x2048xi1>, vector<256x2048xf32>
    %reduce_min3A_311 = arith.constant dense<0x7F800000> : vector<256xf32>
    %reduce_min3A_312 = vector.multi_reduction <minimumf>, %select_n3A_310, %reduce_min3A_311 [1] : vector<256x2048xf32> to vector<256xf32>
    %broadcast_in_dim3A_313 = vector.shape_cast %reduce_min3A_312 : vector<256xf32> to vector<256x1xf32>
    %eq3A_314 = vector.broadcast %broadcast_in_dim3A_313 : vector<256x1xf32> to vector<256x2048xf32>
    %eq3A_315 = arith.cmpf oeq, %select_n3A_310, %eq3A_314 : vector<256x2048xf32>
    %jit3A_316 = arith.constant 2048 : i32
    %broadcast_in_dim3A_317 = vector.broadcast %jit3A_316 : i32 to vector<256x2048xi32>
    %select_n3A_318 = arith.select %eq3A_315, %iota3A, %broadcast_in_dim3A_317 : vector<256x2048xi1>, vector<256x2048xi32>
    %reduce_min3A_319 = arith.constant dense<2147483647> : vector<256xi32>
    %reduce_min3A_320 = vector.multi_reduction <minsi>, %select_n3A_318, %reduce_min3A_319 [1] : vector<256x2048xi32> to vector<256xi32>
    %broadcast_in_dim3A_321 = vector.shape_cast %reduce_min3A_320 : vector<256xi32> to vector<256x1xi32>
    %eq3A_322 = vector.broadcast %broadcast_in_dim3A_321 : vector<256x1xi32> to vector<256x2048xi32>
    %eq3A_323 = arith.cmpi eq, %iota3A, %eq3A_322 : vector<256x2048xi32>
    %jit3A_324 = arith.constant 0x7F800000 : f32
    %broadcast_in_dim3A_325 = vector.broadcast %jit3A_324 : f32 to vector<256x2048xf32>
    %select_n3A_326 = arith.select %eq3A_323, %broadcast_in_dim3A_325, %select_n3A_310 : vector<256x2048xi1>, vector<256x2048xf32>
    %reduce_min3A_327 = arith.constant dense<0x7F800000> : vector<256xf32>
    %reduce_min3A_328 = vector.multi_reduction <minimumf>, %select_n3A_326, %reduce_min3A_327 [1] : vector<256x2048xf32> to vector<256xf32>
    %broadcast_in_dim3A_329 = vector.shape_cast %reduce_min3A_328 : vector<256xf32> to vector<256x1xf32>
    %eq3A_330 = vector.broadcast %broadcast_in_dim3A_329 : vector<256x1xf32> to vector<256x2048xf32>
    %eq3A_331 = arith.cmpf oeq, %select_n3A_326, %eq3A_330 : vector<256x2048xf32>
    %jit3A_332 = arith.constant 2048 : i32
    %broadcast_in_dim3A_333 = vector.broadcast %jit3A_332 : i32 to vector<256x2048xi32>
    %select_n3A_334 = arith.select %eq3A_331, %iota3A, %broadcast_in_dim3A_333 : vector<256x2048xi1>, vector<256x2048xi32>
    %reduce_min3A_335 = arith.constant dense<2147483647> : vector<256xi32>
    %reduce_min3A_336 = vector.multi_reduction <minsi>, %select_n3A_334, %reduce_min3A_335 [1] : vector<256x2048xi32> to vector<256xi32>
    %broadcast_in_dim3A_337 = vector.shape_cast %reduce_min3A_336 : vector<256xi32> to vector<256x1xi32>
    %eq3A_338 = vector.broadcast %broadcast_in_dim3A_337 : vector<256x1xi32> to vector<256x2048xi32>
    %eq3A_339 = arith.cmpi eq, %iota3A, %eq3A_338 : vector<256x2048xi32>
    %jit3A_340 = arith.constant 0x7F800000 : f32
    %broadcast_in_dim3A_341 = vector.broadcast %jit3A_340 : f32 to vector<256x2048xf32>
    %select_n3A_342 = arith.select %eq3A_339, %broadcast_in_dim3A_341, %select_n3A_326 : vector<256x2048xi1>, vector<256x2048xf32>
    %reduce_min3A_343 = arith.constant dense<0x7F800000> : vector<256xf32>
    %reduce_min3A_344 = vector.multi_reduction <minimumf>, %select_n3A_342, %reduce_min3A_343 [1] : vector<256x2048xf32> to vector<256xf32>
    %broadcast_in_dim3A_345 = vector.shape_cast %reduce_min3A_344 : vector<256xf32> to vector<256x1xf32>
    %eq3A_346 = vector.broadcast %broadcast_in_dim3A_345 : vector<256x1xf32> to vector<256x2048xf32>
    %eq3A_347 = arith.cmpf oeq, %select_n3A_342, %eq3A_346 : vector<256x2048xf32>
    %jit3A_348 = arith.constant 2048 : i32
    %broadcast_in_dim3A_349 = vector.broadcast %jit3A_348 : i32 to vector<256x2048xi32>
    %select_n3A_350 = arith.select %eq3A_347, %iota3A, %broadcast_in_dim3A_349 : vector<256x2048xi1>, vector<256x2048xi32>
    %reduce_min3A_351 = arith.constant dense<2147483647> : vector<256xi32>
    %reduce_min3A_352 = vector.multi_reduction <minsi>, %select_n3A_350, %reduce_min3A_351 [1] : vector<256x2048xi32> to vector<256xi32>
    %broadcast_in_dim3A_353 = vector.shape_cast %reduce_min3A_352 : vector<256xi32> to vector<256x1xi32>
    %eq3A_354 = vector.broadcast %broadcast_in_dim3A_353 : vector<256x1xi32> to vector<256x2048xi32>
    %eq3A_355 = arith.cmpi eq, %iota3A, %eq3A_354 : vector<256x2048xi32>
    %jit3A_356 = arith.constant 0x7F800000 : f32
    %broadcast_in_dim3A_357 = vector.broadcast %jit3A_356 : f32 to vector<256x2048xf32>
    %select_n3A_358 = arith.select %eq3A_355, %broadcast_in_dim3A_357, %select_n3A_342 : vector<256x2048xi1>, vector<256x2048xf32>
    %reduce_min3A_359 = arith.constant dense<0x7F800000> : vector<256xf32>
    %reduce_min3A_360 = vector.multi_reduction <minimumf>, %select_n3A_358, %reduce_min3A_359 [1] : vector<256x2048xf32> to vector<256xf32>
    %broadcast_in_dim3A_361 = vector.shape_cast %reduce_min3A_360 : vector<256xf32> to vector<256x1xf32>
    %eq3A_362 = vector.broadcast %broadcast_in_dim3A_361 : vector<256x1xf32> to vector<256x2048xf32>
    %eq3A_363 = arith.cmpf oeq, %select_n3A_358, %eq3A_362 : vector<256x2048xf32>
    %jit3A_364 = arith.constant 2048 : i32
    %broadcast_in_dim3A_365 = vector.broadcast %jit3A_364 : i32 to vector<256x2048xi32>
    %select_n3A_366 = arith.select %eq3A_363, %iota3A, %broadcast_in_dim3A_365 : vector<256x2048xi1>, vector<256x2048xi32>
    %reduce_min3A_367 = arith.constant dense<2147483647> : vector<256xi32>
    %reduce_min3A_368 = vector.multi_reduction <minsi>, %select_n3A_366, %reduce_min3A_367 [1] : vector<256x2048xi32> to vector<256xi32>
    %broadcast_in_dim3A_369 = vector.shape_cast %reduce_min3A_368 : vector<256xi32> to vector<256x1xi32>
    %eq3A_370 = vector.broadcast %broadcast_in_dim3A_369 : vector<256x1xi32> to vector<256x2048xi32>
    %eq3A_371 = arith.cmpi eq, %iota3A, %eq3A_370 : vector<256x2048xi32>
    %jit3A_372 = arith.constant 0x7F800000 : f32
    %broadcast_in_dim3A_373 = vector.broadcast %jit3A_372 : f32 to vector<256x2048xf32>
    %select_n3A_374 = arith.select %eq3A_371, %broadcast_in_dim3A_373, %select_n3A_358 : vector<256x2048xi1>, vector<256x2048xf32>
    %reduce_min3A_375 = arith.constant dense<0x7F800000> : vector<256xf32>
    %reduce_min3A_376 = vector.multi_reduction <minimumf>, %select_n3A_374, %reduce_min3A_375 [1] : vector<256x2048xf32> to vector<256xf32>
    %broadcast_in_dim3A_377 = vector.shape_cast %reduce_min3A_376 : vector<256xf32> to vector<256x1xf32>
    %eq3A_378 = vector.broadcast %broadcast_in_dim3A_377 : vector<256x1xf32> to vector<256x2048xf32>
    %eq3A_379 = arith.cmpf oeq, %select_n3A_374, %eq3A_378 : vector<256x2048xf32>
    %jit3A_380 = arith.constant 2048 : i32
    %broadcast_in_dim3A_381 = vector.broadcast %jit3A_380 : i32 to vector<256x2048xi32>
    %select_n3A_382 = arith.select %eq3A_379, %iota3A, %broadcast_in_dim3A_381 : vector<256x2048xi1>, vector<256x2048xi32>
    %reduce_min3A_383 = arith.constant dense<2147483647> : vector<256xi32>
    %reduce_min3A_384 = vector.multi_reduction <minsi>, %select_n3A_382, %reduce_min3A_383 [1] : vector<256x2048xi32> to vector<256xi32>
    %broadcast_in_dim3A_385 = vector.shape_cast %reduce_min3A_384 : vector<256xi32> to vector<256x1xi32>
    %eq3A_386 = vector.broadcast %broadcast_in_dim3A_385 : vector<256x1xi32> to vector<256x2048xi32>
    %eq3A_387 = arith.cmpi eq, %iota3A, %eq3A_386 : vector<256x2048xi32>
    %jit3A_388 = arith.constant 0x7F800000 : f32
    %broadcast_in_dim3A_389 = vector.broadcast %jit3A_388 : f32 to vector<256x2048xf32>
    %select_n3A_390 = arith.select %eq3A_387, %broadcast_in_dim3A_389, %select_n3A_374 : vector<256x2048xi1>, vector<256x2048xf32>
    %reduce_min3A_391 = arith.constant dense<0x7F800000> : vector<256xf32>
    %reduce_min3A_392 = vector.multi_reduction <minimumf>, %select_n3A_390, %reduce_min3A_391 [1] : vector<256x2048xf32> to vector<256xf32>
    %broadcast_in_dim3A_393 = vector.shape_cast %reduce_min3A_392 : vector<256xf32> to vector<256x1xf32>
    %eq3A_394 = vector.broadcast %broadcast_in_dim3A_393 : vector<256x1xf32> to vector<256x2048xf32>
    %eq3A_395 = arith.cmpf oeq, %select_n3A_390, %eq3A_394 : vector<256x2048xf32>
    %jit3A_396 = arith.constant 2048 : i32
    %broadcast_in_dim3A_397 = vector.broadcast %jit3A_396 : i32 to vector<256x2048xi32>
    %select_n3A_398 = arith.select %eq3A_395, %iota3A, %broadcast_in_dim3A_397 : vector<256x2048xi1>, vector<256x2048xi32>
    %reduce_min3A_399 = arith.constant dense<2147483647> : vector<256xi32>
    %reduce_min3A_400 = vector.multi_reduction <minsi>, %select_n3A_398, %reduce_min3A_399 [1] : vector<256x2048xi32> to vector<256xi32>
    %broadcast_in_dim3A_401 = vector.shape_cast %reduce_min3A_400 : vector<256xi32> to vector<256x1xi32>
    %eq3A_402 = vector.broadcast %broadcast_in_dim3A_401 : vector<256x1xi32> to vector<256x2048xi32>
    %eq3A_403 = arith.cmpi eq, %iota3A, %eq3A_402 : vector<256x2048xi32>
    %jit3A_404 = arith.constant 0x7F800000 : f32
    %broadcast_in_dim3A_405 = vector.broadcast %jit3A_404 : f32 to vector<256x2048xf32>
    %select_n3A_406 = arith.select %eq3A_403, %broadcast_in_dim3A_405, %select_n3A_390 : vector<256x2048xi1>, vector<256x2048xf32>
    %reduce_min3A_407 = arith.constant dense<0x7F800000> : vector<256xf32>
    %reduce_min3A_408 = vector.multi_reduction <minimumf>, %select_n3A_406, %reduce_min3A_407 [1] : vector<256x2048xf32> to vector<256xf32>
    %broadcast_in_dim3A_409 = vector.shape_cast %reduce_min3A_408 : vector<256xf32> to vector<256x1xf32>
    %eq3A_410 = vector.broadcast %broadcast_in_dim3A_409 : vector<256x1xf32> to vector<256x2048xf32>
    %eq3A_411 = arith.cmpf oeq, %select_n3A_406, %eq3A_410 : vector<256x2048xf32>
    %jit3A_412 = arith.constant 2048 : i32
    %broadcast_in_dim3A_413 = vector.broadcast %jit3A_412 : i32 to vector<256x2048xi32>
    %select_n3A_414 = arith.select %eq3A_411, %iota3A, %broadcast_in_dim3A_413 : vector<256x2048xi1>, vector<256x2048xi32>
    %reduce_min3A_415 = arith.constant dense<2147483647> : vector<256xi32>
    %reduce_min3A_416 = vector.multi_reduction <minsi>, %select_n3A_414, %reduce_min3A_415 [1] : vector<256x2048xi32> to vector<256xi32>
    %broadcast_in_dim3A_417 = vector.shape_cast %reduce_min3A_416 : vector<256xi32> to vector<256x1xi32>
    %eq3A_418 = vector.broadcast %broadcast_in_dim3A_417 : vector<256x1xi32> to vector<256x2048xi32>
    %eq3A_419 = arith.cmpi eq, %iota3A, %eq3A_418 : vector<256x2048xi32>
    %jit3A_420 = arith.constant 0x7F800000 : f32
    %broadcast_in_dim3A_421 = vector.broadcast %jit3A_420 : f32 to vector<256x2048xf32>
    %select_n3A_422 = arith.select %eq3A_419, %broadcast_in_dim3A_421, %select_n3A_406 : vector<256x2048xi1>, vector<256x2048xf32>
    %reduce_min3A_423 = arith.constant dense<0x7F800000> : vector<256xf32>
    %reduce_min3A_424 = vector.multi_reduction <minimumf>, %select_n3A_422, %reduce_min3A_423 [1] : vector<256x2048xf32> to vector<256xf32>
    %broadcast_in_dim3A_425 = vector.shape_cast %reduce_min3A_424 : vector<256xf32> to vector<256x1xf32>
    %eq3A_426 = vector.broadcast %broadcast_in_dim3A_425 : vector<256x1xf32> to vector<256x2048xf32>
    %eq3A_427 = arith.cmpf oeq, %select_n3A_422, %eq3A_426 : vector<256x2048xf32>
    %jit3A_428 = arith.constant 2048 : i32
    %broadcast_in_dim3A_429 = vector.broadcast %jit3A_428 : i32 to vector<256x2048xi32>
    %select_n3A_430 = arith.select %eq3A_427, %iota3A, %broadcast_in_dim3A_429 : vector<256x2048xi1>, vector<256x2048xi32>
    %reduce_min3A_431 = arith.constant dense<2147483647> : vector<256xi32>
    %reduce_min3A_432 = vector.multi_reduction <minsi>, %select_n3A_430, %reduce_min3A_431 [1] : vector<256x2048xi32> to vector<256xi32>
    %broadcast_in_dim3A_433 = vector.shape_cast %reduce_min3A_432 : vector<256xi32> to vector<256x1xi32>
    %eq3A_434 = vector.broadcast %broadcast_in_dim3A_433 : vector<256x1xi32> to vector<256x2048xi32>
    %eq3A_435 = arith.cmpi eq, %iota3A, %eq3A_434 : vector<256x2048xi32>
    %jit3A_436 = arith.constant 0x7F800000 : f32
    %broadcast_in_dim3A_437 = vector.broadcast %jit3A_436 : f32 to vector<256x2048xf32>
    %select_n3A_438 = arith.select %eq3A_435, %broadcast_in_dim3A_437, %select_n3A_422 : vector<256x2048xi1>, vector<256x2048xf32>
    %reduce_min3A_439 = arith.constant dense<0x7F800000> : vector<256xf32>
    %reduce_min3A_440 = vector.multi_reduction <minimumf>, %select_n3A_438, %reduce_min3A_439 [1] : vector<256x2048xf32> to vector<256xf32>
    %broadcast_in_dim3A_441 = vector.shape_cast %reduce_min3A_440 : vector<256xf32> to vector<256x1xf32>
    %eq3A_442 = vector.broadcast %broadcast_in_dim3A_441 : vector<256x1xf32> to vector<256x2048xf32>
    %eq3A_443 = arith.cmpf oeq, %select_n3A_438, %eq3A_442 : vector<256x2048xf32>
    %jit3A_444 = arith.constant 2048 : i32
    %broadcast_in_dim3A_445 = vector.broadcast %jit3A_444 : i32 to vector<256x2048xi32>
    %select_n3A_446 = arith.select %eq3A_443, %iota3A, %broadcast_in_dim3A_445 : vector<256x2048xi1>, vector<256x2048xi32>
    %reduce_min3A_447 = arith.constant dense<2147483647> : vector<256xi32>
    %reduce_min3A_448 = vector.multi_reduction <minsi>, %select_n3A_446, %reduce_min3A_447 [1] : vector<256x2048xi32> to vector<256xi32>
    %broadcast_in_dim3A_449 = vector.shape_cast %reduce_min3A_448 : vector<256xi32> to vector<256x1xi32>
    %eq3A_450 = vector.broadcast %broadcast_in_dim3A_449 : vector<256x1xi32> to vector<256x2048xi32>
    %eq3A_451 = arith.cmpi eq, %iota3A, %eq3A_450 : vector<256x2048xi32>
    %jit3A_452 = arith.constant 0x7F800000 : f32
    %broadcast_in_dim3A_453 = vector.broadcast %jit3A_452 : f32 to vector<256x2048xf32>
    %select_n3A_454 = arith.select %eq3A_451, %broadcast_in_dim3A_453, %select_n3A_438 : vector<256x2048xi1>, vector<256x2048xf32>
    %reduce_min3A_455 = arith.constant dense<0x7F800000> : vector<256xf32>
    %reduce_min3A_456 = vector.multi_reduction <minimumf>, %select_n3A_454, %reduce_min3A_455 [1] : vector<256x2048xf32> to vector<256xf32>
    %broadcast_in_dim3A_457 = vector.shape_cast %reduce_min3A_456 : vector<256xf32> to vector<256x1xf32>
    %eq3A_458 = vector.broadcast %broadcast_in_dim3A_457 : vector<256x1xf32> to vector<256x2048xf32>
    %eq3A_459 = arith.cmpf oeq, %select_n3A_454, %eq3A_458 : vector<256x2048xf32>
    %jit3A_460 = arith.constant 2048 : i32
    %broadcast_in_dim3A_461 = vector.broadcast %jit3A_460 : i32 to vector<256x2048xi32>
    %select_n3A_462 = arith.select %eq3A_459, %iota3A, %broadcast_in_dim3A_461 : vector<256x2048xi1>, vector<256x2048xi32>
    %reduce_min3A_463 = arith.constant dense<2147483647> : vector<256xi32>
    %reduce_min3A_464 = vector.multi_reduction <minsi>, %select_n3A_462, %reduce_min3A_463 [1] : vector<256x2048xi32> to vector<256xi32>
    %broadcast_in_dim3A_465 = vector.shape_cast %reduce_min3A_464 : vector<256xi32> to vector<256x1xi32>
    %eq3A_466 = vector.broadcast %broadcast_in_dim3A_465 : vector<256x1xi32> to vector<256x2048xi32>
    %eq3A_467 = arith.cmpi eq, %iota3A, %eq3A_466 : vector<256x2048xi32>
    %jit3A_468 = arith.constant 0x7F800000 : f32
    %broadcast_in_dim3A_469 = vector.broadcast %jit3A_468 : f32 to vector<256x2048xf32>
    %select_n3A_470 = arith.select %eq3A_467, %broadcast_in_dim3A_469, %select_n3A_454 : vector<256x2048xi1>, vector<256x2048xf32>
    %reduce_min3A_471 = arith.constant dense<0x7F800000> : vector<256xf32>
    %reduce_min3A_472 = vector.multi_reduction <minimumf>, %select_n3A_470, %reduce_min3A_471 [1] : vector<256x2048xf32> to vector<256xf32>
    %broadcast_in_dim3A_473 = vector.shape_cast %reduce_min3A_472 : vector<256xf32> to vector<256x1xf32>
    %eq3A_474 = vector.broadcast %broadcast_in_dim3A_473 : vector<256x1xf32> to vector<256x2048xf32>
    %eq3A_475 = arith.cmpf oeq, %select_n3A_470, %eq3A_474 : vector<256x2048xf32>
    %jit3A_476 = arith.constant 2048 : i32
    %broadcast_in_dim3A_477 = vector.broadcast %jit3A_476 : i32 to vector<256x2048xi32>
    %select_n3A_478 = arith.select %eq3A_475, %iota3A, %broadcast_in_dim3A_477 : vector<256x2048xi1>, vector<256x2048xi32>
    %reduce_min3A_479 = arith.constant dense<2147483647> : vector<256xi32>
    %reduce_min3A_480 = vector.multi_reduction <minsi>, %select_n3A_478, %reduce_min3A_479 [1] : vector<256x2048xi32> to vector<256xi32>
    %broadcast_in_dim3A_481 = vector.shape_cast %reduce_min3A_480 : vector<256xi32> to vector<256x1xi32>
    %eq3A_482 = vector.broadcast %broadcast_in_dim3A_481 : vector<256x1xi32> to vector<256x2048xi32>
    %eq3A_483 = arith.cmpi eq, %iota3A, %eq3A_482 : vector<256x2048xi32>
    %jit3A_484 = arith.constant 0x7F800000 : f32
    %broadcast_in_dim3A_485 = vector.broadcast %jit3A_484 : f32 to vector<256x2048xf32>
    %select_n3A_486 = arith.select %eq3A_483, %broadcast_in_dim3A_485, %select_n3A_470 : vector<256x2048xi1>, vector<256x2048xf32>
    %reduce_min3A_487 = arith.constant dense<0x7F800000> : vector<256xf32>
    %reduce_min3A_488 = vector.multi_reduction <minimumf>, %select_n3A_486, %reduce_min3A_487 [1] : vector<256x2048xf32> to vector<256xf32>
    %broadcast_in_dim3A_489 = vector.shape_cast %reduce_min3A_488 : vector<256xf32> to vector<256x1xf32>
    %eq3A_490 = vector.broadcast %broadcast_in_dim3A_489 : vector<256x1xf32> to vector<256x2048xf32>
    %eq3A_491 = arith.cmpf oeq, %select_n3A_486, %eq3A_490 : vector<256x2048xf32>
    %jit3A_492 = arith.constant 2048 : i32
    %broadcast_in_dim3A_493 = vector.broadcast %jit3A_492 : i32 to vector<256x2048xi32>
    %select_n3A_494 = arith.select %eq3A_491, %iota3A, %broadcast_in_dim3A_493 : vector<256x2048xi1>, vector<256x2048xi32>
    %reduce_min3A_495 = arith.constant dense<2147483647> : vector<256xi32>
    %reduce_min3A_496 = vector.multi_reduction <minsi>, %select_n3A_494, %reduce_min3A_495 [1] : vector<256x2048xi32> to vector<256xi32>
    %broadcast_in_dim3A_497 = vector.shape_cast %reduce_min3A_496 : vector<256xi32> to vector<256x1xi32>
    %concatenate3A = tpu.concatenate %broadcast_in_dim3A, %broadcast_in_dim3A_41, %broadcast_in_dim3A_57, %broadcast_in_dim3A_73, %broadcast_in_dim3A_89, %broadcast_in_dim3A_105, %broadcast_in_dim3A_121, %broadcast_in_dim3A_137, %broadcast_in_dim3A_153, %broadcast_in_dim3A_169, %broadcast_in_dim3A_185, %broadcast_in_dim3A_201, %broadcast_in_dim3A_217, %broadcast_in_dim3A_233, %broadcast_in_dim3A_249, %broadcast_in_dim3A_265, %broadcast_in_dim3A_281, %broadcast_in_dim3A_297, %broadcast_in_dim3A_313, %broadcast_in_dim3A_329, %broadcast_in_dim3A_345, %broadcast_in_dim3A_361, %broadcast_in_dim3A_377, %broadcast_in_dim3A_393, %broadcast_in_dim3A_409, %broadcast_in_dim3A_425, %broadcast_in_dim3A_441, %broadcast_in_dim3A_457, %broadcast_in_dim3A_473, %broadcast_in_dim3A_489 in 1 : vector<256x1xf32>, vector<256x1xf32>, vector<256x1xf32>, vector<256x1xf32>, vector<256x1xf32>, vector<256x1xf32>, vector<256x1xf32>, vector<256x1xf32>, vector<256x1xf32>, vector<256x1xf32>, vector<256x1xf32>, vector<256x1xf32>, vector<256x1xf32>, vector<256x1xf32>, vector<256x1xf32>, vector<256x1xf32>, vector<256x1xf32>, vector<256x1xf32>, vector<256x1xf32>, vector<256x1xf32>, vector<256x1xf32>, vector<256x1xf32>, vector<256x1xf32>, vector<256x1xf32>, vector<256x1xf32>, vector<256x1xf32>, vector<256x1xf32>, vector<256x1xf32>, vector<256x1xf32>, vector<256x1xf32> -> vector<256x30xf32>
    %swap3A = arith.constant 0 : index
    %swap3A_498 = arith.constant 0 : index
    %swap3A_499 = arith.constant 0 : index
    %swap3A_500 = vector.load %arg8[%swap3A, %swap3A_498, %swap3A_499] : memref<1x256x30xf32, #tpu.memory_space<vmem>>, vector<1x256x30xf32>
    %swap3A_501 = vector.shape_cast %swap3A_500 : vector<1x256x30xf32> to vector<256x30xf32>
    %swap3A_502 = vector.shape_cast %concatenate3A : vector<256x30xf32> to vector<1x256x30xf32>
    tpu.vector_store %arg8[%swap3A, %swap3A_498, %swap3A_499], %swap3A_502 {strides = array<i32>} : memref<1x256x30xf32, #tpu.memory_space<vmem>>, vector<1x256x30xf32>,
    %concatenate3A_503 = tpu.concatenate %broadcast_in_dim3A_33, %broadcast_in_dim3A_49, %broadcast_in_dim3A_65, %broadcast_in_dim3A_81, %broadcast_in_dim3A_97, %broadcast_in_dim3A_113, %broadcast_in_dim3A_129, %broadcast_in_dim3A_145, %broadcast_in_dim3A_161, %broadcast_in_dim3A_177, %broadcast_in_dim3A_193, %broadcast_in_dim3A_209, %broadcast_in_dim3A_225, %broadcast_in_dim3A_241, %broadcast_in_dim3A_257, %broadcast_in_dim3A_273, %broadcast_in_dim3A_289, %broadcast_in_dim3A_305, %broadcast_in_dim3A_321, %broadcast_in_dim3A_337, %broadcast_in_dim3A_353, %broadcast_in_dim3A_369, %broadcast_in_dim3A_385, %broadcast_in_dim3A_401, %broadcast_in_dim3A_417, %broadcast_in_dim3A_433, %broadcast_in_dim3A_449, %broadcast_in_dim3A_465, %broadcast_in_dim3A_481, %broadcast_in_dim3A_497 in 1 : vector<256x1xi32>, vector<256x1xi32>, vector<256x1xi32>, vector<256x1xi32>, vector<256x1xi32>, vector<256x1xi32>, vector<256x1xi32>, vector<256x1xi32>, vector<256x1xi32>, vector<256x1xi32>, vector<256x1xi32>, vector<256x1xi32>, vector<256x1xi32>, vector<256x1xi32>, vector<256x1xi32>, vector<256x1xi32>, vector<256x1xi32>, vector<256x1xi32>, vector<256x1xi32>, vector<256x1xi32>, vector<256x1xi32>, vector<256x1xi32>, vector<256x1xi32>, vector<256x1xi32>, vector<256x1xi32>, vector<256x1xi32>, vector<256x1xi32>, vector<256x1xi32>, vector<256x1xi32>, vector<256x1xi32> -> vector<256x30xi32>
    %swap3A_504 = arith.constant 0 : index
    %swap3A_505 = arith.constant 0 : index
    %swap3A_506 = arith.constant 0 : index
    %swap3A_507 = vector.load %arg9[%swap3A_504, %swap3A_505, %swap3A_506] : memref<1x256x30xi32, #tpu.memory_space<vmem>>, vector<1x256x30xi32>
    %swap3A_508 = vector.shape_cast %swap3A_507 : vector<1x256x30xi32> to vector<256x30xi32>
    %swap3A_509 = vector.shape_cast %concatenate3A_503 : vector<256x30xi32> to vector<1x256x30xi32>
    tpu.vector_store %arg9[%swap3A_504, %swap3A_505, %swap3A_506], %swap3A_509 {strides = array<i32>} : memref<1x256x30xi32, #tpu.memory_space<vmem>>, vector<1x256x30xi32>,
    %get3A_510 = arith.constant 0 : index
    %get3A_511 = arith.constant 0 : index
    %get3A_512 = arith.constant 0 : index
    %get3A_513 = vector.load %arg3[%get3A_510, %get3A_511, %get3A_512] : memref<1x256x3xf32, #tpu.memory_space<vmem>>, vector<1x256x3xf32>
    %get3A_514 = vector.shape_cast %get3A_513 : vector<1x256x3xf32> to vector<256x3xf32>
    %get3A_515 = arith.constant 0 : index
    %get3A_516 = arith.constant 0 : index
    %get3A_517 = arith.constant 0 : index
    %get3A_518 = vector.load %arg4[%get3A_515, %get3A_516, %get3A_517] : memref<1x256x3xf32, #tpu.memory_space<vmem>>, vector<1x256x3xf32>
    %get3A_519 = vector.shape_cast %get3A_518 : vector<1x256x3xf32> to vector<256x3xf32>
    %sub3A_520 = arith.subf %get3A_3, %get3A_514 : vector<256x3xf32>
    %sub3A_521 = arith.subf %get3A_519, %get3A_3 : vector<256x3xf32>
    %mul3A_522 = arith.mulf %sub3A_520, %sub3A_520 : vector<256x3xf32>
    %reduce_sum3A = arith.constant dense<0.000000e+00> : vector<256xf32>
    %reduce_sum3A_523 = vector.multi_reduction <add>, %mul3A_522, %reduce_sum3A [1] : vector<256x3xf32> to vector<256xf32>
    %broadcast_in_dim3A_524 = vector.shape_cast %reduce_sum3A_523 : vector<256xf32> to vector<256x1xf32>
    %sqrt3A_525 = math.sqrt %broadcast_in_dim3A_524 : vector<256x1xf32>
    %mul3A_526 = arith.mulf %sub3A_521, %sub3A_521 : vector<256x3xf32>
    %reduce_sum3A_527 = arith.constant dense<0.000000e+00> : vector<256xf32>
    %reduce_sum3A_528 = vector.multi_reduction <add>, %mul3A_526, %reduce_sum3A_527 [1] : vector<256x3xf32> to vector<256xf32>
    %broadcast_in_dim3A_529 = vector.shape_cast %reduce_sum3A_528 : vector<256xf32> to vector<256x1xf32>
    %sqrt3A_530 = math.sqrt %broadcast_in_dim3A_529 : vector<256x1xf32>
    %gt3A = arith.constant 3.600000e+00 : f32
    %gt3A_531 = vector.broadcast %gt3A : f32 to vector<256x1xf32>
    %gt3A_532 = arith.cmpf ogt, %sqrt3A_525, %gt3A_531 : vector<256x1xf32>
    %lt3A = arith.constant 4.000000e+00 : f32
    %lt3A_533 = vector.broadcast %lt3A : f32 to vector<256x1xf32>
    %lt3A_534 = arith.cmpf olt, %sqrt3A_525, %lt3A_533 : vector<256x1xf32>
    %and3A = arith.andi %gt3A_532, %lt3A_534 : vector<256x1xi1>
    %convert_element_type3A = arith.extui %and3A : vector<256x1xi1> to vector<256x1xi32>
    %convert_element_type3A_535 = arith.sitofp %convert_element_type3A : vector<256x1xi32> to vector<256x1xf32>
    %gt3A_536 = arith.constant 3.600000e+00 : f32
    %gt3A_537 = vector.broadcast %gt3A_536 : f32 to vector<256x1xf32>
    %gt3A_538 = arith.cmpf ogt, %sqrt3A_530, %gt3A_537 : vector<256x1xf32>
    %lt3A_539 = arith.constant 4.000000e+00 : f32
    %lt3A_540 = vector.broadcast %lt3A_539 : f32 to vector<256x1xf32>
    %lt3A_541 = arith.cmpf olt, %sqrt3A_530, %lt3A_540 : vector<256x1xf32>
    %and3A_542 = arith.andi %gt3A_538, %lt3A_541 : vector<256x1xi1>
    %convert_element_type3A_543 = arith.extui %and3A_542 : vector<256x1xi1> to vector<256x1xi32>
    %convert_element_type3A_544 = arith.sitofp %convert_element_type3A_543 : vector<256x1xi32> to vector<256x1xf32>
    %mul3A_545 = vector.broadcast %convert_element_type3A_535 : vector<256x1xf32> to vector<256x3xf32>
    %mul3A_546 = arith.mulf %sub3A_520, %mul3A_545 : vector<256x3xf32>
    %mul3A_547 = arith.mulf %sqrt3A_525, %convert_element_type3A_535 : vector<256x1xf32>
    %max3A = arith.constant 9.99999996E-13 : f32
    %max3A_548 = vector.broadcast %max3A : f32 to vector<256x1xf32>
    %max3A_549 = arith.maximumf %mul3A_547, %max3A_548 : vector<256x1xf32>
    %div3A = vector.broadcast %max3A_549 : vector<256x1xf32> to vector<256x3xf32>
    %div3A_550 = arith.divf %mul3A_546, %div3A : vector<256x3xf32>
    %mul3A_551 = vector.broadcast %convert_element_type3A_544 : vector<256x1xf32> to vector<256x3xf32>
    %mul3A_552 = arith.mulf %sub3A_521, %mul3A_551 : vector<256x3xf32>
    %mul3A_553 = arith.mulf %sqrt3A_530, %convert_element_type3A_544 : vector<256x1xf32>
    %max3A_554 = arith.constant 9.99999996E-13 : f32
    %max3A_555 = vector.broadcast %max3A_554 : f32 to vector<256x1xf32>
    %max3A_556 = arith.maximumf %mul3A_553, %max3A_555 : vector<256x1xf32>
    %div3A_557 = vector.broadcast %max3A_556 : vector<256x1xf32> to vector<256x3xf32>
    %div3A_558 = arith.divf %mul3A_552, %div3A_557 : vector<256x3xf32>
    %slice3A_559 = vector.extract_strided_slice %div3A_550 {offsets = [0, 0], sizes = [256, 1], strides = [1, 1]} : vector<256x3xf32> to vector<256x1xf32>
    %slice3A_560 = vector.extract_strided_slice %div3A_550 {offsets = [0, 1], sizes = [256, 1], strides = [1, 1]} : vector<256x3xf32> to vector<256x1xf32>
    %slice3A_561 = vector.extract_strided_slice %div3A_550 {offsets = [0, 2], sizes = [256, 1], strides = [1, 1]} : vector<256x3xf32> to vector<256x1xf32>
    %slice3A_562 = vector.extract_strided_slice %div3A_558 {offsets = [0, 0], sizes = [256, 1], strides = [1, 1]} : vector<256x3xf32> to vector<256x1xf32>
    %slice3A_563 = vector.extract_strided_slice %div3A_558 {offsets = [0, 1], sizes = [256, 1], strides = [1, 1]} : vector<256x3xf32> to vector<256x1xf32>
    %slice3A_564 = vector.extract_strided_slice %div3A_558 {offsets = [0, 2], sizes = [256, 1], strides = [1, 1]} : vector<256x3xf32> to vector<256x1xf32>
    %sub3A_565 = arith.subf %slice3A_559, %slice3A_562 : vector<256x1xf32>
    %sub3A_566 = arith.subf %slice3A_560, %slice3A_563 : vector<256x1xf32>
    %sub3A_567 = arith.subf %slice3A_561, %slice3A_564 : vector<256x1xf32>
    %mul3A_568 = arith.mulf %sub3A_565, %sub3A_565 : vector<256x1xf32>
    %mul3A_569 = arith.mulf %sub3A_566, %sub3A_566 : vector<256x1xf32>
    %add3A_570 = arith.addf %mul3A_568, %mul3A_569 : vector<256x1xf32>
    %mul3A_571 = arith.mulf %sub3A_567, %sub3A_567 : vector<256x1xf32>
    %add3A_572 = arith.addf %add3A_570, %mul3A_571 : vector<256x1xf32>
    %sqrt3A_573 = math.sqrt %add3A_572 : vector<256x1xf32>
    %max3A_574 = arith.constant 9.99999996E-13 : f32
    %max3A_575 = vector.broadcast %max3A_574 : f32 to vector<256x1xf32>
    %max3A_576 = arith.maximumf %sqrt3A_573, %max3A_575 : vector<256x1xf32>
    %div3A_577 = arith.divf %sub3A_565, %max3A_576 : vector<256x1xf32>
    %div3A_578 = arith.divf %sub3A_566, %max3A_576 : vector<256x1xf32>
    %div3A_579 = arith.divf %sub3A_567, %max3A_576 : vector<256x1xf32>
    %mul3A_580 = arith.mulf %slice3A_560, %slice3A_564 : vector<256x1xf32>
    %mul3A_581 = arith.mulf %slice3A_561, %slice3A_563 : vector<256x1xf32>
    %sub3A_582 = arith.subf %mul3A_580, %mul3A_581 : vector<256x1xf32>
    %mul3A_583 = arith.mulf %slice3A_561, %slice3A_562 : vector<256x1xf32>
    %mul3A_584 = arith.mulf %slice3A_559, %slice3A_564 : vector<256x1xf32>
    %sub3A_585 = arith.subf %mul3A_583, %mul3A_584 : vector<256x1xf32>
    %mul3A_586 = arith.mulf %slice3A_559, %slice3A_563 : vector<256x1xf32>
    %mul3A_587 = arith.mulf %slice3A_560, %slice3A_562 : vector<256x1xf32>
    %sub3A_588 = arith.subf %mul3A_586, %mul3A_587 : vector<256x1xf32>
    %mul3A_589 = arith.mulf %sub3A_582, %sub3A_582 : vector<256x1xf32>
    %mul3A_590 = arith.mulf %sub3A_585, %sub3A_585 : vector<256x1xf32>
    %add3A_591 = arith.addf %mul3A_589, %mul3A_590 : vector<256x1xf32>
    %mul3A_592 = arith.mulf %sub3A_588, %sub3A_588 : vector<256x1xf32>
    %add3A_593 = arith.addf %add3A_591, %mul3A_592 : vector<256x1xf32>
    %sqrt3A_594 = math.sqrt %add3A_593 : vector<256x1xf32>
    %max3A_595 = arith.constant 9.99999996E-13 : f32
    %max3A_596 = vector.broadcast %max3A_595 : f32 to vector<256x1xf32>
    %max3A_597 = arith.maximumf %sqrt3A_594, %max3A_596 : vector<256x1xf32>
    %div3A_598 = arith.divf %sub3A_582, %max3A_597 : vector<256x1xf32>
    %div3A_599 = arith.divf %sub3A_585, %max3A_597 : vector<256x1xf32>
    %div3A_600 = arith.divf %sub3A_588, %max3A_597 : vector<256x1xf32>
    %mul3A_601 = arith.mulf %div3A_578, %div3A_600 : vector<256x1xf32>
    %mul3A_602 = arith.mulf %div3A_579, %div3A_599 : vector<256x1xf32>
    %sub3A_603 = arith.subf %mul3A_601, %mul3A_602 : vector<256x1xf32>
    %mul3A_604 = arith.mulf %div3A_579, %div3A_598 : vector<256x1xf32>
    %mul3A_605 = arith.mulf %div3A_577, %div3A_600 : vector<256x1xf32>
    %sub3A_606 = arith.subf %mul3A_604, %mul3A_605 : vector<256x1xf32>
    %mul3A_607 = arith.mulf %div3A_577, %div3A_599 : vector<256x1xf32>
    %mul3A_608 = arith.mulf %div3A_578, %div3A_598 : vector<256x1xf32>
    %sub3A_609 = arith.subf %mul3A_607, %mul3A_608 : vector<256x1xf32>
    %mul3A_610 = arith.constant 256 : i32
    %mul3A_611 = arith.muli %arg1, %mul3A_610 : i32
    %iota3A_612 = tpu.iota {dimensions = array<i32: 0>} : vector<256x1xi32>
    %add3A_613 = vector.broadcast %mul3A_611 : i32 to vector<256x1xi32>
    %add3A_614 = arith.addi %add3A_613, %iota3A_612 : vector<256x1xi32>
    %ge3A = arith.constant 1 : i32
    %ge3A_615 = vector.broadcast %ge3A : i32 to vector<256x1xi32>
    %ge3A_616 = arith.cmpi sge, %add3A_614, %ge3A_615 : vector<256x1xi32>
    %le3A = arith.constant 2045 : i32
    %le3A_617 = vector.broadcast %le3A : i32 to vector<256x1xi32>
    %le3A_618 = arith.cmpi sle, %add3A_614, %le3A_617 : vector<256x1xi32>
    %and3A_619 = arith.andi %ge3A_616, %le3A_618 : vector<256x1xi1>
    %convert_element_type3A_620 = arith.extui %and3A_619 : vector<256x1xi1> to vector<256x1xi32>
    %convert_element_type3A_621 = arith.sitofp %convert_element_type3A_620 : vector<256x1xi32> to vector<256x1xf32>
    %concatenate3A_622 = tpu.concatenate %div3A_577, %div3A_578, %div3A_579, %div3A_598, %div3A_599, %div3A_600, %sub3A_603, %sub3A_606, %sub3A_609 in 1 : vector<256x1xf32>, vector<256x1xf32>, vector<256x1xf32>, vector<256x1xf32>, vector<256x1xf32>, vector<256x1xf32>, vector<256x1xf32>, vector<256x1xf32>, vector<256x1xf32> -> vector<256x9xf32>
    %mul3A_623 = vector.broadcast %convert_element_type3A_621 : vector<256x1xf32> to vector<256x9xf32>
    %mul3A_624 = arith.mulf %concatenate3A_622, %mul3A_623 : vector<256x9xf32>
    %broadcast_in_dim3A_625 = arith.constant 0.000000e+00 : f32
    %broadcast_in_dim3A_626 = vector.broadcast %broadcast_in_dim3A_625 : f32 to vector<256x12xf32>
    %get3A_627 = arith.constant 0 : index
    %get3A_628 = arith.constant 0 : index
    %get3A_629 = arith.constant 0 : index
    %get3A_630 = vector.load %arg6[%get3A_627, %get3A_628, %get3A_629] : memref<1x256x1xf32, #tpu.memory_space<vmem>>, vector<1x256x1xf32>
    %get3A_631 = vector.shape_cast %get3A_630 : vector<1x256x1xf32> to vector<256x1xf32>
    %get3A_632 = arith.constant 0 : index
    %get3A_633 = arith.constant 0 : index
    %get3A_634 = arith.constant 0 : index
    %get3A_635 = vector.load %arg7[%get3A_632, %get3A_633, %get3A_634] : memref<1x256x1xf32, #tpu.memory_space<vmem>>, vector<1x256x1xf32>
    %get3A_636 = vector.shape_cast %get3A_635 : vector<1x256x1xf32> to vector<256x1xf32>
    %concatenate3A_637 = tpu.concatenate %get3A_514, %get3A_3, %get3A_519, %mul3A_624, %get3A_631, %get3A_636, %broadcast_in_dim3A_626 in 1 : vector<256x3xf32>, vector<256x3xf32>, vector<256x3xf32>, vector<256x9xf32>, vector<256x1xf32>, vector<256x1xf32>, vector<256x12xf32> -> vector<256x32xf32>
    %swap3A_638 = arith.constant 0 : index
    %swap3A_639 = arith.constant 0 : index
    %swap3A_640 = arith.constant 0 : index
    %swap3A_641 = vector.load %arg10[%swap3A_638, %swap3A_639, %swap3A_640] : memref<1x256x32xf32, #tpu.memory_space<vmem>>, vector<1x256x32xf32>
    %swap3A_642 = vector.shape_cast %swap3A_641 : vector<1x256x32xf32> to vector<256x32xf32>
    %swap3A_643 = vector.shape_cast %concatenate3A_637 : vector<256x32xf32> to vector<1x256x32xf32>
    tpu.vector_store %arg10[%swap3A_638, %swap3A_639, %swap3A_640], %swap3A_643 {strides = array<i32>} : memref<1x256x32xf32, #tpu.memory_space<vmem>>, vector<1x256x32xf32>,
    return
  }
  func.func @transform_0(%arg0: i32, %arg1: i32) -> (i32, i32, i32) {
    %c0_i32 = arith.constant 0 : i32
    %c0_i32_0 = arith.constant 0 : i32
    return %arg0, %arg1, %c0_i32 : i32, i32, i32
  }
  func.func @transform_1(%arg0: i32, %arg1: i32) -> (i32, i32, i32) {
    %c0_i32 = arith.constant 0 : i32
    %c0_i32_0 = arith.constant 0 : i32
    return %arg0, %arg1, %c0_i32 : i32, i32, i32
  }
  func.func @transform_2(%arg0: i32, %arg1: i32) -> (i32, i32, i32) {
    %c0_i32 = arith.constant 0 : i32
    %c0_i32_0 = arith.constant 0 : i32
    return %arg0, %arg1, %c0_i32 : i32, i32, i32
  }
  func.func @transform_3(%arg0: i32, %arg1: i32) -> (i32, i32, i32) {
    %c0_i32 = arith.constant 0 : i32
    %c0_i32_0 = arith.constant 0 : i32
    %c0_i32_1 = arith.constant 0 : i32
    return %arg0, %c0_i32, %c0_i32_0 : i32, i32, i32
  }
  func.func @transform_4(%arg0: i32, %arg1: i32) -> (i32, i32, i32) {
    %c0_i32 = arith.constant 0 : i32
    %c0_i32_0 = arith.constant 0 : i32
    return %arg0, %arg1, %c0_i32 : i32, i32, i32
  }
  func.func @transform_5(%arg0: i32, %arg1: i32) -> (i32, i32, i32) {
    %c0_i32 = arith.constant 0 : i32
    %c0_i32_0 = arith.constant 0 : i32
    return %arg0, %arg1, %c0_i32 : i32, i32, i32
  }
  func.func @transform_6(%arg0: i32, %arg1: i32) -> (i32, i32, i32) {
    %c0_i32 = arith.constant 0 : i32
    %c0_i32_0 = arith.constant 0 : i32
    return %arg0, %arg1, %c0_i32 : i32, i32, i32
  }
  func.func @transform_7(%arg0: i32, %arg1: i32) -> (i32, i32, i32) {
    %c0_i32 = arith.constant 0 : i32
    %c0_i32_0 = arith.constant 0 : i32
    return %arg0, %arg1, %c0_i32 : i32, i32, i32
  }
  func.func @transform_8(%arg0: i32, %arg1: i32) -> (i32, i32, i32) {
    %c0_i32 = arith.constant 0 : i32
    %c0_i32_0 = arith.constant 0 : i32
    return %arg0, %arg1, %c0_i32 : i32, i32, i32
  }
}

module attributes {stable_mosaic.version = 14 : i64} {
  func.func @_edge_kernel(%arg0: i32, %arg1: memref<1024x21xf32, #tpu.memory_space<vmem>>, %arg2: memref<1024x32xf32, #tpu.memory_space<vmem>>, %arg3: memref<66x16xf32, #tpu.memory_space<vmem>>, %arg4: memref<1x16xf32, #tpu.memory_space<vmem>>, %arg5: memref<167x128xf32, #tpu.memory_space<vmem>>, %arg6: memref<1x128xf32, #tpu.memory_space<vmem>>, %arg7: memref<1x128xf32, #tpu.memory_space<vmem>>, %arg8: memref<1024x128xf32, #tpu.memory_space<vmem>>) attributes {dimension_semantics = [#tpu.dimension_semantics<parallel>], iteration_bounds = array<i64: 120>, scalar_prefetch = 0 : i64, scratch_operands = 0 : i64, tpu.core_type = #tpu.core_type<tc>, window_params = [{transform_indices = @transform_0, window_bounds = array<i64: 1024, 21>}, {transform_indices = @transform_1, window_bounds = array<i64: 1024, 32>}, {pipeline_mode = #tpu.pipeline_mode<synchronous>, transform_indices = @transform_2, window_bounds = array<i64: 66, 16>}, {pipeline_mode = #tpu.pipeline_mode<synchronous>, transform_indices = @transform_3, window_bounds = array<i64: 1, 16>}, {pipeline_mode = #tpu.pipeline_mode<synchronous>, transform_indices = @transform_4, window_bounds = array<i64: 167, 128>}, {pipeline_mode = #tpu.pipeline_mode<synchronous>, transform_indices = @transform_5, window_bounds = array<i64: 1, 128>}, {pipeline_mode = #tpu.pipeline_mode<synchronous>, transform_indices = @transform_6, window_bounds = array<i64: 1, 128>}, {transform_indices = @transform_7, window_bounds = array<i64: 1024, 128>}]} {
    %get3A = arith.constant 0 : index
    %get3A_0 = arith.constant 0 : index
    %get3A_1 = vector.load %arg1[%get3A, %get3A_0] : memref<1024x21xf32, #tpu.memory_space<vmem>>, vector<1024x21xf32>
    %get3A_2 = arith.constant 0 : index
    %get3A_3 = arith.constant 0 : index
    %get3A_4 = vector.load %arg2[%get3A_2, %get3A_3] : memref<1024x32xf32, #tpu.memory_space<vmem>>, vector<1024x32xf32>
    %slice3A = vector.extract_strided_slice %get3A_1 {offsets = [0, 3], sizes = [1024, 1], strides = [1, 1]} : vector<1024x21xf32> to vector<1024x1xf32>
    %slice3A_5 = vector.extract_strided_slice %get3A_1 {offsets = [0, 4], sizes = [1024, 1], strides = [1, 1]} : vector<1024x21xf32> to vector<1024x1xf32>
    %slice3A_6 = vector.extract_strided_slice %get3A_1 {offsets = [0, 5], sizes = [1024, 1], strides = [1, 1]} : vector<1024x21xf32> to vector<1024x1xf32>
    %slice3A_7 = vector.extract_strided_slice %get3A_4 {offsets = [0, 3], sizes = [1024, 1], strides = [1, 1]} : vector<1024x32xf32> to vector<1024x1xf32>
    %slice3A_8 = vector.extract_strided_slice %get3A_4 {offsets = [0, 4], sizes = [1024, 1], strides = [1, 1]} : vector<1024x32xf32> to vector<1024x1xf32>
    %slice3A_9 = vector.extract_strided_slice %get3A_4 {offsets = [0, 5], sizes = [1024, 1], strides = [1, 1]} : vector<1024x32xf32> to vector<1024x1xf32>
    %slice3A_10 = vector.extract_strided_slice %get3A_1 {offsets = [0, 9], sizes = [1024, 1], strides = [1, 1]} : vector<1024x21xf32> to vector<1024x1xf32>
    %slice3A_11 = vector.extract_strided_slice %get3A_1 {offsets = [0, 10], sizes = [1024, 1], strides = [1, 1]} : vector<1024x21xf32> to vector<1024x1xf32>
    %slice3A_12 = vector.extract_strided_slice %get3A_1 {offsets = [0, 11], sizes = [1024, 1], strides = [1, 1]} : vector<1024x21xf32> to vector<1024x1xf32>
    %slice3A_13 = vector.extract_strided_slice %get3A_1 {offsets = [0, 12], sizes = [1024, 1], strides = [1, 1]} : vector<1024x21xf32> to vector<1024x1xf32>
    %slice3A_14 = vector.extract_strided_slice %get3A_1 {offsets = [0, 13], sizes = [1024, 1], strides = [1, 1]} : vector<1024x21xf32> to vector<1024x1xf32>
    %slice3A_15 = vector.extract_strided_slice %get3A_1 {offsets = [0, 14], sizes = [1024, 1], strides = [1, 1]} : vector<1024x21xf32> to vector<1024x1xf32>
    %slice3A_16 = vector.extract_strided_slice %get3A_1 {offsets = [0, 15], sizes = [1024, 1], strides = [1, 1]} : vector<1024x21xf32> to vector<1024x1xf32>
    %slice3A_17 = vector.extract_strided_slice %get3A_1 {offsets = [0, 16], sizes = [1024, 1], strides = [1, 1]} : vector<1024x21xf32> to vector<1024x1xf32>
    %slice3A_18 = vector.extract_strided_slice %get3A_1 {offsets = [0, 17], sizes = [1024, 1], strides = [1, 1]} : vector<1024x21xf32> to vector<1024x1xf32>
    %slice3A_19 = vector.extract_strided_slice %get3A_4 {offsets = [0, 9], sizes = [1024, 1], strides = [1, 1]} : vector<1024x32xf32> to vector<1024x1xf32>
    %slice3A_20 = vector.extract_strided_slice %get3A_4 {offsets = [0, 10], sizes = [1024, 1], strides = [1, 1]} : vector<1024x32xf32> to vector<1024x1xf32>
    %slice3A_21 = vector.extract_strided_slice %get3A_4 {offsets = [0, 11], sizes = [1024, 1], strides = [1, 1]} : vector<1024x32xf32> to vector<1024x1xf32>
    %slice3A_22 = vector.extract_strided_slice %get3A_4 {offsets = [0, 12], sizes = [1024, 1], strides = [1, 1]} : vector<1024x32xf32> to vector<1024x1xf32>
    %slice3A_23 = vector.extract_strided_slice %get3A_4 {offsets = [0, 13], sizes = [1024, 1], strides = [1, 1]} : vector<1024x32xf32> to vector<1024x1xf32>
    %slice3A_24 = vector.extract_strided_slice %get3A_4 {offsets = [0, 14], sizes = [1024, 1], strides = [1, 1]} : vector<1024x32xf32> to vector<1024x1xf32>
    %slice3A_25 = vector.extract_strided_slice %get3A_4 {offsets = [0, 15], sizes = [1024, 1], strides = [1, 1]} : vector<1024x32xf32> to vector<1024x1xf32>
    %slice3A_26 = vector.extract_strided_slice %get3A_4 {offsets = [0, 16], sizes = [1024, 1], strides = [1, 1]} : vector<1024x32xf32> to vector<1024x1xf32>
    %slice3A_27 = vector.extract_strided_slice %get3A_4 {offsets = [0, 17], sizes = [1024, 1], strides = [1, 1]} : vector<1024x32xf32> to vector<1024x1xf32>
    %slice3A_28 = vector.extract_strided_slice %get3A_1 {offsets = [0, 18], sizes = [1024, 1], strides = [1, 1]} : vector<1024x21xf32> to vector<1024x1xf32>
    %slice3A_29 = vector.extract_strided_slice %get3A_1 {offsets = [0, 19], sizes = [1024, 1], strides = [1, 1]} : vector<1024x21xf32> to vector<1024x1xf32>
    %slice3A_30 = vector.extract_strided_slice %get3A_1 {offsets = [0, 20], sizes = [1024, 1], strides = [1, 1]} : vector<1024x21xf32> to vector<1024x1xf32>
    %slice3A_31 = vector.extract_strided_slice %get3A_4 {offsets = [0, 18], sizes = [1024, 1], strides = [1, 1]} : vector<1024x32xf32> to vector<1024x1xf32>
    %slice3A_32 = vector.extract_strided_slice %get3A_4 {offsets = [0, 19], sizes = [1024, 1], strides = [1, 1]} : vector<1024x32xf32> to vector<1024x1xf32>
    %slice3A_33 = vector.extract_strided_slice %get3A_1 {offsets = [0, 0], sizes = [1024, 3], strides = [1, 1]} : vector<1024x21xf32> to vector<1024x3xf32>
    %slice3A_34 = vector.extract_strided_slice %get3A_4 {offsets = [0, 0], sizes = [1024, 3], strides = [1, 1]} : vector<1024x32xf32> to vector<1024x3xf32>
    %sub3A = arith.subf %slice3A_33, %slice3A_34 : vector<1024x3xf32>
    %mul3A = arith.mulf %sub3A, %sub3A : vector<1024x3xf32>
    %reduce_sum3A = arith.constant dense<0.000000e+00> : vector<1024xf32>
    %reduce_sum3A_35 = vector.multi_reduction <add>, %mul3A, %reduce_sum3A [1] : vector<1024x3xf32> to vector<1024xf32>
    %broadcast_in_dim3A = vector.shape_cast %reduce_sum3A_35 : vector<1024xf32> to vector<1024x1xf32>
    %add3A = arith.constant 9.99999997E-7 : f32
    %add3A_36 = vector.broadcast %add3A : f32 to vector<1024x1xf32>
    %add3A_37 = arith.addf %broadcast_in_dim3A, %add3A_36 : vector<1024x1xf32>
    %sqrt3A = math.sqrt %add3A_37 : vector<1024x1xf32>
    %slice3A_38 = vector.extract_strided_slice %get3A_1 {offsets = [0, 6], sizes = [1024, 3], strides = [1, 1]} : vector<1024x21xf32> to vector<1024x3xf32>
    %slice3A_39 = vector.extract_strided_slice %get3A_4 {offsets = [0, 6], sizes = [1024, 3], strides = [1, 1]} : vector<1024x32xf32> to vector<1024x3xf32>
    %sub3A_40 = arith.subf %slice3A_38, %slice3A_39 : vector<1024x3xf32>
    %mul3A_41 = arith.mulf %sub3A_40, %sub3A_40 : vector<1024x3xf32>
    %reduce_sum3A_42 = arith.constant dense<0.000000e+00> : vector<1024xf32>
    %reduce_sum3A_43 = vector.multi_reduction <add>, %mul3A_41, %reduce_sum3A_42 [1] : vector<1024x3xf32> to vector<1024xf32>
    %broadcast_in_dim3A_44 = vector.shape_cast %reduce_sum3A_43 : vector<1024xf32> to vector<1024x1xf32>
    %add3A_45 = arith.constant 9.99999997E-7 : f32
    %add3A_46 = vector.broadcast %add3A_45 : f32 to vector<1024x1xf32>
    %add3A_47 = arith.addf %broadcast_in_dim3A_44, %add3A_46 : vector<1024x1xf32>
    %sqrt3A_48 = math.sqrt %add3A_47 : vector<1024x1xf32>
    %slice3A_49 = vector.extract_strided_slice %get3A_1 {offsets = [0, 0], sizes = [1024, 3], strides = [1, 1]} : vector<1024x21xf32> to vector<1024x3xf32>
    %slice3A_50 = vector.extract_strided_slice %get3A_4 {offsets = [0, 3], sizes = [1024, 3], strides = [1, 1]} : vector<1024x32xf32> to vector<1024x3xf32>
    %sub3A_51 = arith.subf %slice3A_49, %slice3A_50 : vector<1024x3xf32>
    %mul3A_52 = arith.mulf %sub3A_51, %sub3A_51 : vector<1024x3xf32>
    %reduce_sum3A_53 = arith.constant dense<0.000000e+00> : vector<1024xf32>
    %reduce_sum3A_54 = vector.multi_reduction <add>, %mul3A_52, %reduce_sum3A_53 [1] : vector<1024x3xf32> to vector<1024xf32>
    %broadcast_in_dim3A_55 = vector.shape_cast %reduce_sum3A_54 : vector<1024xf32> to vector<1024x1xf32>
    %add3A_56 = arith.constant 9.99999997E-7 : f32
    %add3A_57 = vector.broadcast %add3A_56 : f32 to vector<1024x1xf32>
    %add3A_58 = arith.addf %broadcast_in_dim3A_55, %add3A_57 : vector<1024x1xf32>
    %sqrt3A_59 = math.sqrt %add3A_58 : vector<1024x1xf32>
    %slice3A_60 = vector.extract_strided_slice %get3A_1 {offsets = [0, 0], sizes = [1024, 3], strides = [1, 1]} : vector<1024x21xf32> to vector<1024x3xf32>
    %slice3A_61 = vector.extract_strided_slice %get3A_4 {offsets = [0, 6], sizes = [1024, 3], strides = [1, 1]} : vector<1024x32xf32> to vector<1024x3xf32>
    %sub3A_62 = arith.subf %slice3A_60, %slice3A_61 : vector<1024x3xf32>
    %mul3A_63 = arith.mulf %sub3A_62, %sub3A_62 : vector<1024x3xf32>
    %reduce_sum3A_64 = arith.constant dense<0.000000e+00> : vector<1024xf32>
    %reduce_sum3A_65 = vector.multi_reduction <add>, %mul3A_63, %reduce_sum3A_64 [1] : vector<1024x3xf32> to vector<1024xf32>
    %broadcast_in_dim3A_66 = vector.shape_cast %reduce_sum3A_65 : vector<1024xf32> to vector<1024x1xf32>
    %add3A_67 = arith.constant 9.99999997E-7 : f32
    %add3A_68 = vector.broadcast %add3A_67 : f32 to vector<1024x1xf32>
    %add3A_69 = arith.addf %broadcast_in_dim3A_66, %add3A_68 : vector<1024x1xf32>
    %sqrt3A_70 = math.sqrt %add3A_69 : vector<1024x1xf32>
    %slice3A_71 = vector.extract_strided_slice %get3A_1 {offsets = [0, 3], sizes = [1024, 3], strides = [1, 1]} : vector<1024x21xf32> to vector<1024x3xf32>
    %slice3A_72 = vector.extract_strided_slice %get3A_4 {offsets = [0, 0], sizes = [1024, 3], strides = [1, 1]} : vector<1024x32xf32> to vector<1024x3xf32>
    %sub3A_73 = arith.subf %slice3A_71, %slice3A_72 : vector<1024x3xf32>
    %mul3A_74 = arith.mulf %sub3A_73, %sub3A_73 : vector<1024x3xf32>
    %reduce_sum3A_75 = arith.constant dense<0.000000e+00> : vector<1024xf32>
    %reduce_sum3A_76 = vector.multi_reduction <add>, %mul3A_74, %reduce_sum3A_75 [1] : vector<1024x3xf32> to vector<1024xf32>
    %broadcast_in_dim3A_77 = vector.shape_cast %reduce_sum3A_76 : vector<1024xf32> to vector<1024x1xf32>
    %add3A_78 = arith.constant 9.99999997E-7 : f32
    %add3A_79 = vector.broadcast %add3A_78 : f32 to vector<1024x1xf32>
    %add3A_80 = arith.addf %broadcast_in_dim3A_77, %add3A_79 : vector<1024x1xf32>
    %sqrt3A_81 = math.sqrt %add3A_80 : vector<1024x1xf32>
    %slice3A_82 = vector.extract_strided_slice %get3A_1 {offsets = [0, 3], sizes = [1024, 3], strides = [1, 1]} : vector<1024x21xf32> to vector<1024x3xf32>
    %slice3A_83 = vector.extract_strided_slice %get3A_4 {offsets = [0, 6], sizes = [1024, 3], strides = [1, 1]} : vector<1024x32xf32> to vector<1024x3xf32>
    %sub3A_84 = arith.subf %slice3A_82, %slice3A_83 : vector<1024x3xf32>
    %mul3A_85 = arith.mulf %sub3A_84, %sub3A_84 : vector<1024x3xf32>
    %reduce_sum3A_86 = arith.constant dense<0.000000e+00> : vector<1024xf32>
    %reduce_sum3A_87 = vector.multi_reduction <add>, %mul3A_85, %reduce_sum3A_86 [1] : vector<1024x3xf32> to vector<1024xf32>
    %broadcast_in_dim3A_88 = vector.shape_cast %reduce_sum3A_87 : vector<1024xf32> to vector<1024x1xf32>
    %add3A_89 = arith.constant 9.99999997E-7 : f32
    %add3A_90 = vector.broadcast %add3A_89 : f32 to vector<1024x1xf32>
    %add3A_91 = arith.addf %broadcast_in_dim3A_88, %add3A_90 : vector<1024x1xf32>
    %sqrt3A_92 = math.sqrt %add3A_91 : vector<1024x1xf32>
    %slice3A_93 = vector.extract_strided_slice %get3A_1 {offsets = [0, 6], sizes = [1024, 3], strides = [1, 1]} : vector<1024x21xf32> to vector<1024x3xf32>
    %slice3A_94 = vector.extract_strided_slice %get3A_4 {offsets = [0, 0], sizes = [1024, 3], strides = [1, 1]} : vector<1024x32xf32> to vector<1024x3xf32>
    %sub3A_95 = arith.subf %slice3A_93, %slice3A_94 : vector<1024x3xf32>
    %mul3A_96 = arith.mulf %sub3A_95, %sub3A_95 : vector<1024x3xf32>
    %reduce_sum3A_97 = arith.constant dense<0.000000e+00> : vector<1024xf32>
    %reduce_sum3A_98 = vector.multi_reduction <add>, %mul3A_96, %reduce_sum3A_97 [1] : vector<1024x3xf32> to vector<1024xf32>
    %broadcast_in_dim3A_99 = vector.shape_cast %reduce_sum3A_98 : vector<1024xf32> to vector<1024x1xf32>
    %add3A_100 = arith.constant 9.99999997E-7 : f32
    %add3A_101 = vector.broadcast %add3A_100 : f32 to vector<1024x1xf32>
    %add3A_102 = arith.addf %broadcast_in_dim3A_99, %add3A_101 : vector<1024x1xf32>
    %sqrt3A_103 = math.sqrt %add3A_102 : vector<1024x1xf32>
    %slice3A_104 = vector.extract_strided_slice %get3A_1 {offsets = [0, 6], sizes = [1024, 3], strides = [1, 1]} : vector<1024x21xf32> to vector<1024x3xf32>
    %slice3A_105 = vector.extract_strided_slice %get3A_4 {offsets = [0, 3], sizes = [1024, 3], strides = [1, 1]} : vector<1024x32xf32> to vector<1024x3xf32>
    %sub3A_106 = arith.subf %slice3A_104, %slice3A_105 : vector<1024x3xf32>
    %mul3A_107 = arith.mulf %sub3A_106, %sub3A_106 : vector<1024x3xf32>
    %reduce_sum3A_108 = arith.constant dense<0.000000e+00> : vector<1024xf32>
    %reduce_sum3A_109 = vector.multi_reduction <add>, %mul3A_107, %reduce_sum3A_108 [1] : vector<1024x3xf32> to vector<1024xf32>
    %broadcast_in_dim3A_110 = vector.shape_cast %reduce_sum3A_109 : vector<1024xf32> to vector<1024x1xf32>
    %add3A_111 = arith.constant 9.99999997E-7 : f32
    %add3A_112 = vector.broadcast %add3A_111 : f32 to vector<1024x1xf32>
    %add3A_113 = arith.addf %broadcast_in_dim3A_110, %add3A_112 : vector<1024x1xf32>
    %sqrt3A_114 = math.sqrt %add3A_113 : vector<1024x1xf32>
    %broadcast_in_dim3A_115 = vector.shape_cast %slice3A_30 : vector<1024x1xf32> to vector<1024x1xf32>
    %broadcast_in_dim3A_116 = vector.broadcast %broadcast_in_dim3A_115 : vector<1024x1xf32> to vector<1024x16xf32>
    %broadcast_in_dim3A_117 = vector.shape_cast %sqrt3A : vector<1024x1xf32> to vector<1024x1xf32>
    %broadcast_in_dim3A_118 = vector.broadcast %broadcast_in_dim3A_117 : vector<1024x1xf32> to vector<1024x16xf32>
    %broadcast_in_dim3A_119 = vector.shape_cast %sqrt3A_48 : vector<1024x1xf32> to vector<1024x1xf32>
    %broadcast_in_dim3A_120 = vector.broadcast %broadcast_in_dim3A_119 : vector<1024x1xf32> to vector<1024x16xf32>
    %broadcast_in_dim3A_121 = vector.shape_cast %sqrt3A_59 : vector<1024x1xf32> to vector<1024x1xf32>
    %broadcast_in_dim3A_122 = vector.broadcast %broadcast_in_dim3A_121 : vector<1024x1xf32> to vector<1024x16xf32>
    %broadcast_in_dim3A_123 = vector.shape_cast %sqrt3A_70 : vector<1024x1xf32> to vector<1024x1xf32>
    %broadcast_in_dim3A_124 = vector.broadcast %broadcast_in_dim3A_123 : vector<1024x1xf32> to vector<1024x16xf32>
    %broadcast_in_dim3A_125 = vector.shape_cast %sqrt3A_81 : vector<1024x1xf32> to vector<1024x1xf32>
    %broadcast_in_dim3A_126 = vector.broadcast %broadcast_in_dim3A_125 : vector<1024x1xf32> to vector<1024x16xf32>
    %broadcast_in_dim3A_127 = vector.shape_cast %sqrt3A_92 : vector<1024x1xf32> to vector<1024x1xf32>
    %broadcast_in_dim3A_128 = vector.broadcast %broadcast_in_dim3A_127 : vector<1024x1xf32> to vector<1024x16xf32>
    %broadcast_in_dim3A_129 = vector.shape_cast %sqrt3A_103 : vector<1024x1xf32> to vector<1024x1xf32>
    %broadcast_in_dim3A_130 = vector.broadcast %broadcast_in_dim3A_129 : vector<1024x1xf32> to vector<1024x16xf32>
    %broadcast_in_dim3A_131 = vector.shape_cast %sqrt3A_114 : vector<1024x1xf32> to vector<1024x1xf32>
    %broadcast_in_dim3A_132 = vector.broadcast %broadcast_in_dim3A_131 : vector<1024x1xf32> to vector<1024x16xf32>
    %concatenate3A = tpu.concatenate %broadcast_in_dim3A_116, %broadcast_in_dim3A_118, %broadcast_in_dim3A_120, %broadcast_in_dim3A_122, %broadcast_in_dim3A_124, %broadcast_in_dim3A_126, %broadcast_in_dim3A_128, %broadcast_in_dim3A_130, %broadcast_in_dim3A_132 in 1 : vector<1024x16xf32>, vector<1024x16xf32>, vector<1024x16xf32>, vector<1024x16xf32>, vector<1024x16xf32>, vector<1024x16xf32>, vector<1024x16xf32>, vector<1024x16xf32>, vector<1024x16xf32> -> vector<1024x144xf32>
    %iota3A = tpu.iota {dimensions = array<i32: 1>} : vector<1x144xi32>
    %jit3A = arith.constant 16 : i32
    %eq3A = arith.constant 0 : i32
    %eq3A_133 = arith.cmpi eq, %jit3A, %eq3A : i32
    %jit3A_134 = arith.constant 1 : i32
    %select_n3A = arith.select %eq3A_133, %jit3A_134, %jit3A : i32
    %rem3A = vector.broadcast %select_n3A : i32 to vector<1x144xi32>
    %rem3A_135 = arith.remsi %iota3A, %rem3A : vector<1x144xi32>
    %ne3A = arith.constant 0 : i32
    %ne3A_136 = vector.broadcast %ne3A : i32 to vector<1x144xi32>
    %ne3A_137 = arith.cmpi ne, %rem3A_135, %ne3A_136 : vector<1x144xi32>
    %lt3A = arith.constant 0 : i32
    %lt3A_138 = vector.broadcast %lt3A : i32 to vector<1x144xi32>
    %lt3A_139 = arith.cmpi slt, %rem3A_135, %lt3A_138 : vector<1x144xi32>
    %lt3A_140 = arith.constant 0 : i32
    %lt3A_141 = arith.cmpi slt, %select_n3A, %lt3A_140 : i32
    %ne3A_142 = vector.broadcast %lt3A_141 : i1 to vector<1x144xi1>
    %ne3A_143 = vector.broadcast %ne3A_142 : vector<1x144xi1> to vector<1x144xi1>
    %ne3A_144 = arith.xori %lt3A_139, %ne3A_143 : vector<1x144xi1>
    %and3A = arith.andi %ne3A_144, %ne3A_137 : vector<1x144xi1>
    %add3A_145 = vector.broadcast %select_n3A : i32 to vector<1x144xi32>
    %add3A_146 = arith.addi %rem3A_135, %add3A_145 : vector<1x144xi32>
    %select_n3A_147 = arith.select %and3A, %add3A_146, %rem3A_135 : vector<1x144xi1>, vector<1x144xi32>
    %convert_element_type3A = arith.sitofp %select_n3A_147 : vector<1x144xi32> to vector<1x144xf32>
    %mul3A_148 = arith.constant 1.33333337 : f32
    %mul3A_149 = vector.broadcast %mul3A_148 : f32 to vector<1x144xf32>
    %mul3A_150 = arith.mulf %convert_element_type3A, %mul3A_149 : vector<1x144xf32>
    %add3A_151 = arith.constant 2.000000e+00 : f32
    %add3A_152 = vector.broadcast %add3A_151 : f32 to vector<1x144xf32>
    %add3A_153 = arith.addf %add3A_152, %mul3A_150 : vector<1x144xf32>
    %sub3A_154 = vector.broadcast %add3A_153 : vector<1x144xf32> to vector<1024x144xf32>
    %sub3A_155 = arith.subf %concatenate3A, %sub3A_154 : vector<1024x144xf32>
    %div3A = arith.constant 1.250000e+00 : f32
    %div3A_156 = vector.broadcast %div3A : f32 to vector<1024x144xf32>
    %div3A_157 = arith.divf %sub3A_155, %div3A_156 : vector<1024x144xf32>
    %mul3A_158 = arith.mulf %div3A_157, %div3A_157 : vector<1024x144xf32>
    %neg3A = arith.constant 0.000000e+00 : f32
    %neg3A_159 = vector.broadcast %neg3A : f32 to vector<1024x144xf32>
    %neg3A_160 = arith.subf %neg3A_159, %mul3A_158 : vector<1024x144xf32>
    %exp3A = math.exp %neg3A_160 : vector<1024x144xf32>
    %convert_element_type3A_161 = arith.truncf %slice3A_10 : vector<1024x1xf32> to vector<1024x1xbf16>
    %convert_element_type3A_162 = arith.extf %convert_element_type3A_161 : vector<1024x1xbf16> to vector<1024x1xf32>
    %convert_element_type3A_163 = arith.truncf %slice3A_11 : vector<1024x1xf32> to vector<1024x1xbf16>
    %convert_element_type3A_164 = arith.extf %convert_element_type3A_163 : vector<1024x1xbf16> to vector<1024x1xf32>
    %convert_element_type3A_165 = arith.truncf %slice3A_12 : vector<1024x1xf32> to vector<1024x1xbf16>
    %convert_element_type3A_166 = arith.extf %convert_element_type3A_165 : vector<1024x1xbf16> to vector<1024x1xf32>
    %convert_element_type3A_167 = arith.truncf %slice3A_13 : vector<1024x1xf32> to vector<1024x1xbf16>
    %convert_element_type3A_168 = arith.extf %convert_element_type3A_167 : vector<1024x1xbf16> to vector<1024x1xf32>
    %convert_element_type3A_169 = arith.truncf %slice3A_14 : vector<1024x1xf32> to vector<1024x1xbf16>
    %convert_element_type3A_170 = arith.extf %convert_element_type3A_169 : vector<1024x1xbf16> to vector<1024x1xf32>
    %convert_element_type3A_171 = arith.truncf %slice3A_15 : vector<1024x1xf32> to vector<1024x1xbf16>
    %convert_element_type3A_172 = arith.extf %convert_element_type3A_171 : vector<1024x1xbf16> to vector<1024x1xf32>
    %convert_element_type3A_173 = arith.truncf %slice3A_16 : vector<1024x1xf32> to vector<1024x1xbf16>
    %convert_element_type3A_174 = arith.extf %convert_element_type3A_173 : vector<1024x1xbf16> to vector<1024x1xf32>
    %convert_element_type3A_175 = arith.truncf %slice3A_17 : vector<1024x1xf32> to vector<1024x1xbf16>
    %convert_element_type3A_176 = arith.extf %convert_element_type3A_175 : vector<1024x1xbf16> to vector<1024x1xf32>
    %convert_element_type3A_177 = arith.truncf %slice3A_18 : vector<1024x1xf32> to vector<1024x1xbf16>
    %convert_element_type3A_178 = arith.extf %convert_element_type3A_177 : vector<1024x1xbf16> to vector<1024x1xf32>
    %convert_element_type3A_179 = arith.truncf %slice3A_19 : vector<1024x1xf32> to vector<1024x1xbf16>
    %convert_element_type3A_180 = arith.extf %convert_element_type3A_179 : vector<1024x1xbf16> to vector<1024x1xf32>
    %convert_element_type3A_181 = arith.truncf %slice3A_20 : vector<1024x1xf32> to vector<1024x1xbf16>
    %convert_element_type3A_182 = arith.extf %convert_element_type3A_181 : vector<1024x1xbf16> to vector<1024x1xf32>
    %convert_element_type3A_183 = arith.truncf %slice3A_21 : vector<1024x1xf32> to vector<1024x1xbf16>
    %convert_element_type3A_184 = arith.extf %convert_element_type3A_183 : vector<1024x1xbf16> to vector<1024x1xf32>
    %convert_element_type3A_185 = arith.truncf %slice3A_22 : vector<1024x1xf32> to vector<1024x1xbf16>
    %convert_element_type3A_186 = arith.extf %convert_element_type3A_185 : vector<1024x1xbf16> to vector<1024x1xf32>
    %convert_element_type3A_187 = arith.truncf %slice3A_23 : vector<1024x1xf32> to vector<1024x1xbf16>
    %convert_element_type3A_188 = arith.extf %convert_element_type3A_187 : vector<1024x1xbf16> to vector<1024x1xf32>
    %convert_element_type3A_189 = arith.truncf %slice3A_24 : vector<1024x1xf32> to vector<1024x1xbf16>
    %convert_element_type3A_190 = arith.extf %convert_element_type3A_189 : vector<1024x1xbf16> to vector<1024x1xf32>
    %convert_element_type3A_191 = arith.truncf %slice3A_25 : vector<1024x1xf32> to vector<1024x1xbf16>
    %convert_element_type3A_192 = arith.extf %convert_element_type3A_191 : vector<1024x1xbf16> to vector<1024x1xf32>
    %convert_element_type3A_193 = arith.truncf %slice3A_26 : vector<1024x1xf32> to vector<1024x1xbf16>
    %convert_element_type3A_194 = arith.extf %convert_element_type3A_193 : vector<1024x1xbf16> to vector<1024x1xf32>
    %convert_element_type3A_195 = arith.truncf %slice3A_27 : vector<1024x1xf32> to vector<1024x1xbf16>
    %convert_element_type3A_196 = arith.extf %convert_element_type3A_195 : vector<1024x1xbf16> to vector<1024x1xf32>
    %sub3A_197 = arith.subf %slice3A_7, %slice3A : vector<1024x1xf32>
    %convert_element_type3A_198 = arith.truncf %sub3A_197 : vector<1024x1xf32> to vector<1024x1xbf16>
    %convert_element_type3A_199 = arith.extf %convert_element_type3A_198 : vector<1024x1xbf16> to vector<1024x1xf32>
    %sub3A_200 = arith.subf %slice3A_8, %slice3A_5 : vector<1024x1xf32>
    %convert_element_type3A_201 = arith.truncf %sub3A_200 : vector<1024x1xf32> to vector<1024x1xbf16>
    %convert_element_type3A_202 = arith.extf %convert_element_type3A_201 : vector<1024x1xbf16> to vector<1024x1xf32>
    %sub3A_203 = arith.subf %slice3A_9, %slice3A_6 : vector<1024x1xf32>
    %convert_element_type3A_204 = arith.truncf %sub3A_203 : vector<1024x1xf32> to vector<1024x1xbf16>
    %convert_element_type3A_205 = arith.extf %convert_element_type3A_204 : vector<1024x1xbf16> to vector<1024x1xf32>
    %mul3A_206 = arith.mulf %convert_element_type3A_162, %convert_element_type3A_199 : vector<1024x1xf32>
    %mul3A_207 = arith.mulf %convert_element_type3A_164, %convert_element_type3A_202 : vector<1024x1xf32>
    %add3A_208 = arith.addf %mul3A_206, %mul3A_207 : vector<1024x1xf32>
    %mul3A_209 = arith.mulf %convert_element_type3A_166, %convert_element_type3A_205 : vector<1024x1xf32>
    %add3A_210 = arith.addf %add3A_208, %mul3A_209 : vector<1024x1xf32>
    %mul3A_211 = arith.mulf %convert_element_type3A_168, %convert_element_type3A_199 : vector<1024x1xf32>
    %mul3A_212 = arith.mulf %convert_element_type3A_170, %convert_element_type3A_202 : vector<1024x1xf32>
    %add3A_213 = arith.addf %mul3A_211, %mul3A_212 : vector<1024x1xf32>
    %mul3A_214 = arith.mulf %convert_element_type3A_172, %convert_element_type3A_205 : vector<1024x1xf32>
    %add3A_215 = arith.addf %add3A_213, %mul3A_214 : vector<1024x1xf32>
    %mul3A_216 = arith.mulf %convert_element_type3A_174, %convert_element_type3A_199 : vector<1024x1xf32>
    %mul3A_217 = arith.mulf %convert_element_type3A_176, %convert_element_type3A_202 : vector<1024x1xf32>
    %add3A_218 = arith.addf %mul3A_216, %mul3A_217 : vector<1024x1xf32>
    %mul3A_219 = arith.mulf %convert_element_type3A_178, %convert_element_type3A_205 : vector<1024x1xf32>
    %add3A_220 = arith.addf %add3A_218, %mul3A_219 : vector<1024x1xf32>
    %mul3A_221 = arith.mulf %add3A_210, %add3A_210 : vector<1024x1xf32>
    %mul3A_222 = arith.mulf %add3A_215, %add3A_215 : vector<1024x1xf32>
    %add3A_223 = arith.addf %mul3A_221, %mul3A_222 : vector<1024x1xf32>
    %mul3A_224 = arith.mulf %add3A_220, %add3A_220 : vector<1024x1xf32>
    %add3A_225 = arith.addf %add3A_223, %mul3A_224 : vector<1024x1xf32>
    %sqrt3A_226 = math.sqrt %add3A_225 : vector<1024x1xf32>
    %max3A = arith.constant 9.99999996E-13 : f32
    %max3A_227 = vector.broadcast %max3A : f32 to vector<1024x1xf32>
    %max3A_228 = arith.maximumf %sqrt3A_226, %max3A_227 : vector<1024x1xf32>
    %div3A_229 = arith.divf %add3A_210, %max3A_228 : vector<1024x1xf32>
    %div3A_230 = arith.divf %add3A_215, %max3A_228 : vector<1024x1xf32>
    %div3A_231 = arith.divf %add3A_220, %max3A_228 : vector<1024x1xf32>
    %mul3A_232 = arith.mulf %convert_element_type3A_162, %convert_element_type3A_180 : vector<1024x1xf32>
    %mul3A_233 = arith.mulf %convert_element_type3A_168, %convert_element_type3A_186 : vector<1024x1xf32>
    %add3A_234 = arith.addf %mul3A_232, %mul3A_233 : vector<1024x1xf32>
    %mul3A_235 = arith.mulf %convert_element_type3A_174, %convert_element_type3A_192 : vector<1024x1xf32>
    %add3A_236 = arith.addf %add3A_234, %mul3A_235 : vector<1024x1xf32>
    %mul3A_237 = arith.mulf %convert_element_type3A_162, %convert_element_type3A_182 : vector<1024x1xf32>
    %mul3A_238 = arith.mulf %convert_element_type3A_168, %convert_element_type3A_188 : vector<1024x1xf32>
    %add3A_239 = arith.addf %mul3A_237, %mul3A_238 : vector<1024x1xf32>
    %mul3A_240 = arith.mulf %convert_element_type3A_174, %convert_element_type3A_194 : vector<1024x1xf32>
    %add3A_241 = arith.addf %add3A_239, %mul3A_240 : vector<1024x1xf32>
    %mul3A_242 = arith.mulf %convert_element_type3A_162, %convert_element_type3A_184 : vector<1024x1xf32>
    %mul3A_243 = arith.mulf %convert_element_type3A_168, %convert_element_type3A_190 : vector<1024x1xf32>
    %add3A_244 = arith.addf %mul3A_242, %mul3A_243 : vector<1024x1xf32>
    %mul3A_245 = arith.mulf %convert_element_type3A_174, %convert_element_type3A_196 : vector<1024x1xf32>
    %add3A_246 = arith.addf %add3A_244, %mul3A_245 : vector<1024x1xf32>
    %mul3A_247 = arith.mulf %convert_element_type3A_164, %convert_element_type3A_180 : vector<1024x1xf32>
    %mul3A_248 = arith.mulf %convert_element_type3A_170, %convert_element_type3A_186 : vector<1024x1xf32>
    %add3A_249 = arith.addf %mul3A_247, %mul3A_248 : vector<1024x1xf32>
    %mul3A_250 = arith.mulf %convert_element_type3A_176, %convert_element_type3A_192 : vector<1024x1xf32>
    %add3A_251 = arith.addf %add3A_249, %mul3A_250 : vector<1024x1xf32>
    %mul3A_252 = arith.mulf %convert_element_type3A_164, %convert_element_type3A_182 : vector<1024x1xf32>
    %mul3A_253 = arith.mulf %convert_element_type3A_170, %convert_element_type3A_188 : vector<1024x1xf32>
    %add3A_254 = arith.addf %mul3A_252, %mul3A_253 : vector<1024x1xf32>
    %mul3A_255 = arith.mulf %convert_element_type3A_176, %convert_element_type3A_194 : vector<1024x1xf32>
    %add3A_256 = arith.addf %add3A_254, %mul3A_255 : vector<1024x1xf32>
    %mul3A_257 = arith.mulf %convert_element_type3A_164, %convert_element_type3A_184 : vector<1024x1xf32>
    %mul3A_258 = arith.mulf %convert_element_type3A_170, %convert_element_type3A_190 : vector<1024x1xf32>
    %add3A_259 = arith.addf %mul3A_257, %mul3A_258 : vector<1024x1xf32>
    %mul3A_260 = arith.mulf %convert_element_type3A_176, %convert_element_type3A_196 : vector<1024x1xf32>
    %add3A_261 = arith.addf %add3A_259, %mul3A_260 : vector<1024x1xf32>
    %mul3A_262 = arith.mulf %convert_element_type3A_166, %convert_element_type3A_180 : vector<1024x1xf32>
    %mul3A_263 = arith.mulf %convert_element_type3A_172, %convert_element_type3A_186 : vector<1024x1xf32>
    %add3A_264 = arith.addf %mul3A_262, %mul3A_263 : vector<1024x1xf32>
    %mul3A_265 = arith.mulf %convert_element_type3A_178, %convert_element_type3A_192 : vector<1024x1xf32>
    %add3A_266 = arith.addf %add3A_264, %mul3A_265 : vector<1024x1xf32>
    %mul3A_267 = arith.mulf %convert_element_type3A_166, %convert_element_type3A_182 : vector<1024x1xf32>
    %mul3A_268 = arith.mulf %convert_element_type3A_172, %convert_element_type3A_188 : vector<1024x1xf32>
    %add3A_269 = arith.addf %mul3A_267, %mul3A_268 : vector<1024x1xf32>
    %mul3A_270 = arith.mulf %convert_element_type3A_178, %convert_element_type3A_194 : vector<1024x1xf32>
    %add3A_271 = arith.addf %add3A_269, %mul3A_270 : vector<1024x1xf32>
    %mul3A_272 = arith.mulf %convert_element_type3A_166, %convert_element_type3A_184 : vector<1024x1xf32>
    %mul3A_273 = arith.mulf %convert_element_type3A_172, %convert_element_type3A_190 : vector<1024x1xf32>
    %add3A_274 = arith.addf %mul3A_272, %mul3A_273 : vector<1024x1xf32>
    %mul3A_275 = arith.mulf %convert_element_type3A_178, %convert_element_type3A_196 : vector<1024x1xf32>
    %add3A_276 = arith.addf %add3A_274, %mul3A_275 : vector<1024x1xf32>
    %sub3A_277 = arith.subf %add3A_236, %add3A_256 : vector<1024x1xf32>
    %sub3A_278 = arith.subf %sub3A_277, %add3A_276 : vector<1024x1xf32>
    %add3A_279 = arith.constant 1.000000e+00 : f32
    %add3A_280 = vector.broadcast %add3A_279 : f32 to vector<1024x1xf32>
    %add3A_281 = arith.addf %sub3A_278, %add3A_280 : vector<1024x1xf32>
    %abs3A = math.absf %add3A_281 : vector<1024x1xf32>
    %add3A_282 = arith.constant 9.99999993E-9 : f32
    %add3A_283 = vector.broadcast %add3A_282 : f32 to vector<1024x1xf32>
    %add3A_284 = arith.addf %abs3A, %add3A_283 : vector<1024x1xf32>
    %sqrt3A_285 = math.sqrt %add3A_284 : vector<1024x1xf32>
    %mul3A_286 = arith.constant 5.000000e-01 : f32
    %mul3A_287 = vector.broadcast %mul3A_286 : f32 to vector<1024x1xf32>
    %mul3A_288 = arith.mulf %mul3A_287, %sqrt3A_285 : vector<1024x1xf32>
    %neg3A_289 = arith.constant 0.000000e+00 : f32
    %neg3A_290 = vector.broadcast %neg3A_289 : f32 to vector<1024x1xf32>
    %neg3A_291 = arith.subf %neg3A_290, %add3A_236 : vector<1024x1xf32>
    %add3A_292 = arith.addf %neg3A_291, %add3A_256 : vector<1024x1xf32>
    %sub3A_293 = arith.subf %add3A_292, %add3A_276 : vector<1024x1xf32>
    %add3A_294 = arith.constant 1.000000e+00 : f32
    %add3A_295 = vector.broadcast %add3A_294 : f32 to vector<1024x1xf32>
    %add3A_296 = arith.addf %sub3A_293, %add3A_295 : vector<1024x1xf32>
    %abs3A_297 = math.absf %add3A_296 : vector<1024x1xf32>
    %add3A_298 = arith.constant 9.99999993E-9 : f32
    %add3A_299 = vector.broadcast %add3A_298 : f32 to vector<1024x1xf32>
    %add3A_300 = arith.addf %abs3A_297, %add3A_299 : vector<1024x1xf32>
    %sqrt3A_301 = math.sqrt %add3A_300 : vector<1024x1xf32>
    %mul3A_302 = arith.constant 5.000000e-01 : f32
    %mul3A_303 = vector.broadcast %mul3A_302 : f32 to vector<1024x1xf32>
    %mul3A_304 = arith.mulf %mul3A_303, %sqrt3A_301 : vector<1024x1xf32>
    %neg3A_305 = arith.constant 0.000000e+00 : f32
    %neg3A_306 = vector.broadcast %neg3A_305 : f32 to vector<1024x1xf32>
    %neg3A_307 = arith.subf %neg3A_306, %add3A_236 : vector<1024x1xf32>
    %sub3A_308 = arith.subf %neg3A_307, %add3A_256 : vector<1024x1xf32>
    %add3A_309 = arith.addf %sub3A_308, %add3A_276 : vector<1024x1xf32>
    %add3A_310 = arith.constant 1.000000e+00 : f32
    %add3A_311 = vector.broadcast %add3A_310 : f32 to vector<1024x1xf32>
    %add3A_312 = arith.addf %add3A_309, %add3A_311 : vector<1024x1xf32>
    %abs3A_313 = math.absf %add3A_312 : vector<1024x1xf32>
    %add3A_314 = arith.constant 9.99999993E-9 : f32
    %add3A_315 = vector.broadcast %add3A_314 : f32 to vector<1024x1xf32>
    %add3A_316 = arith.addf %abs3A_313, %add3A_315 : vector<1024x1xf32>
    %sqrt3A_317 = math.sqrt %add3A_316 : vector<1024x1xf32>
    %mul3A_318 = arith.constant 5.000000e-01 : f32
    %mul3A_319 = vector.broadcast %mul3A_318 : f32 to vector<1024x1xf32>
    %mul3A_320 = arith.mulf %mul3A_319, %sqrt3A_317 : vector<1024x1xf32>
    %sub3A_321 = arith.subf %add3A_271, %add3A_261 : vector<1024x1xf32>
    %sign3A = tpu.bitcast %sub3A_321 : vector<1024x1xf32> -> vector<1024x1xi32>
    %sign3A_322 = arith.constant -2147483648 : i32
    %sign3A_323 = vector.broadcast %sign3A_322 : i32 to vector<1024x1xi32>
    %sign3A_324 = arith.andi %sign3A, %sign3A_323 : vector<1024x1xi32>
    %sign3A_325 = arith.constant 1065353216 : i32
    %sign3A_326 = vector.broadcast %sign3A_325 : i32 to vector<1024x1xi32>
    %sign3A_327 = arith.ori %sign3A_326, %sign3A_324 : vector<1024x1xi32>
    %sign3A_328 = tpu.bitcast %sign3A_327 : vector<1024x1xi32> -> vector<1024x1xf32>
    %sign3A_329 = math.absf %sub3A_321 : vector<1024x1xf32>
    %sign3A_330 = arith.constant 0.000000e+00 : f32
    %sign3A_331 = vector.broadcast %sign3A_330 : f32 to vector<1024x1xf32>
    %sign3A_332 = arith.cmpf ogt, %sign3A_329, %sign3A_331 : vector<1024x1xf32>
    %sign3A_333 = arith.select %sign3A_332, %sign3A_328, %sub3A_321 : vector<1024x1xi1>, vector<1024x1xf32>
    %mul3A_334 = arith.mulf %sign3A_333, %mul3A_288 : vector<1024x1xf32>
    %sub3A_335 = arith.subf %add3A_246, %add3A_266 : vector<1024x1xf32>
    %sign3A_336 = tpu.bitcast %sub3A_335 : vector<1024x1xf32> -> vector<1024x1xi32>
    %sign3A_337 = arith.constant -2147483648 : i32
    %sign3A_338 = vector.broadcast %sign3A_337 : i32 to vector<1024x1xi32>
    %sign3A_339 = arith.andi %sign3A_336, %sign3A_338 : vector<1024x1xi32>
    %sign3A_340 = arith.constant 1065353216 : i32
    %sign3A_341 = vector.broadcast %sign3A_340 : i32 to vector<1024x1xi32>
    %sign3A_342 = arith.ori %sign3A_341, %sign3A_339 : vector<1024x1xi32>
    %sign3A_343 = tpu.bitcast %sign3A_342 : vector<1024x1xi32> -> vector<1024x1xf32>
    %sign3A_344 = math.absf %sub3A_335 : vector<1024x1xf32>
    %sign3A_345 = arith.constant 0.000000e+00 : f32
    %sign3A_346 = vector.broadcast %sign3A_345 : f32 to vector<1024x1xf32>
    %sign3A_347 = arith.cmpf ogt, %sign3A_344, %sign3A_346 : vector<1024x1xf32>
    %sign3A_348 = arith.select %sign3A_347, %sign3A_343, %sub3A_335 : vector<1024x1xi1>, vector<1024x1xf32>
    %mul3A_349 = arith.mulf %sign3A_348, %mul3A_304 : vector<1024x1xf32>
    %sub3A_350 = arith.subf %add3A_251, %add3A_241 : vector<1024x1xf32>
    %sign3A_351 = tpu.bitcast %sub3A_350 : vector<1024x1xf32> -> vector<1024x1xi32>
    %sign3A_352 = arith.constant -2147483648 : i32
    %sign3A_353 = vector.broadcast %sign3A_352 : i32 to vector<1024x1xi32>
    %sign3A_354 = arith.andi %sign3A_351, %sign3A_353 : vector<1024x1xi32>
    %sign3A_355 = arith.constant 1065353216 : i32
    %sign3A_356 = vector.broadcast %sign3A_355 : i32 to vector<1024x1xi32>
    %sign3A_357 = arith.ori %sign3A_356, %sign3A_354 : vector<1024x1xi32>
    %sign3A_358 = tpu.bitcast %sign3A_357 : vector<1024x1xi32> -> vector<1024x1xf32>
    %sign3A_359 = math.absf %sub3A_350 : vector<1024x1xf32>
    %sign3A_360 = arith.constant 0.000000e+00 : f32
    %sign3A_361 = vector.broadcast %sign3A_360 : f32 to vector<1024x1xf32>
    %sign3A_362 = arith.cmpf ogt, %sign3A_359, %sign3A_361 : vector<1024x1xf32>
    %sign3A_363 = arith.select %sign3A_362, %sign3A_358, %sub3A_350 : vector<1024x1xi1>, vector<1024x1xf32>
    %mul3A_364 = arith.mulf %sign3A_363, %mul3A_320 : vector<1024x1xf32>
    %add3A_365 = arith.constant 1.000000e+00 : f32
    %add3A_366 = vector.broadcast %add3A_365 : f32 to vector<1024x1xf32>
    %add3A_367 = arith.addf %add3A_366, %add3A_236 : vector<1024x1xf32>
    %add3A_368 = arith.addf %add3A_367, %add3A_256 : vector<1024x1xf32>
    %add3A_369 = arith.addf %add3A_368, %add3A_276 : vector<1024x1xf32>
    %max3A_370 = arith.constant 0.000000e+00 : f32
    %max3A_371 = vector.broadcast %max3A_370 : f32 to vector<1024x1xf32>
    %max3A_372 = arith.maximumf %add3A_369, %max3A_371 : vector<1024x1xf32>
    %add3A_373 = arith.constant 9.99999993E-9 : f32
    %add3A_374 = vector.broadcast %add3A_373 : f32 to vector<1024x1xf32>
    %add3A_375 = arith.addf %max3A_372, %add3A_374 : vector<1024x1xf32>
    %sqrt3A_376 = math.sqrt %add3A_375 : vector<1024x1xf32>
    %div3A_377 = arith.constant 2.000000e+00 : f32
    %div3A_378 = vector.broadcast %div3A_377 : f32 to vector<1024x1xf32>
    %div3A_379 = arith.divf %sqrt3A_376, %div3A_378 : vector<1024x1xf32>
    %mul3A_380 = arith.mulf %mul3A_334, %mul3A_334 : vector<1024x1xf32>
    %mul3A_381 = arith.mulf %mul3A_349, %mul3A_349 : vector<1024x1xf32>
    %add3A_382 = arith.addf %mul3A_380, %mul3A_381 : vector<1024x1xf32>
    %mul3A_383 = arith.mulf %mul3A_364, %mul3A_364 : vector<1024x1xf32>
    %add3A_384 = arith.addf %add3A_382, %mul3A_383 : vector<1024x1xf32>
    %mul3A_385 = arith.mulf %div3A_379, %div3A_379 : vector<1024x1xf32>
    %add3A_386 = arith.addf %add3A_384, %mul3A_385 : vector<1024x1xf32>
    %sqrt3A_387 = math.sqrt %add3A_386 : vector<1024x1xf32>
    %max3A_388 = arith.constant 9.99999996E-13 : f32
    %max3A_389 = vector.broadcast %max3A_388 : f32 to vector<1024x1xf32>
    %max3A_390 = arith.maximumf %sqrt3A_387, %max3A_389 : vector<1024x1xf32>
    %div3A_391 = arith.divf %mul3A_334, %max3A_390 : vector<1024x1xf32>
    %div3A_392 = arith.divf %mul3A_349, %max3A_390 : vector<1024x1xf32>
    %div3A_393 = arith.divf %mul3A_364, %max3A_390 : vector<1024x1xf32>
    %div3A_394 = arith.divf %div3A_379, %max3A_390 : vector<1024x1xf32>
    %sub3A_395 = arith.subf %slice3A_29, %slice3A_32 : vector<1024x1xf32>
    %eq3A_396 = arith.cmpf oeq, %slice3A_28, %slice3A_31 : vector<1024x1xf32>
    %convert_element_type3A_397 = arith.extui %eq3A_396 : vector<1024x1xi1> to vector<1024x1xi32>
    %convert_element_type3A_398 = arith.sitofp %convert_element_type3A_397 : vector<1024x1xi32> to vector<1024x1xf32>
    %add3A_399 = arith.constant 3.200000e+01 : f32
    %add3A_400 = vector.broadcast %add3A_399 : f32 to vector<1024x1xf32>
    %add3A_401 = arith.addf %sub3A_395, %add3A_400 : vector<1024x1xf32>
    %jit3A_402 = arith.constant 0.000000e+00 : f32
    %jit3A_403 = arith.constant 6.400000e+01 : f32
    %max3A_404 = vector.broadcast %jit3A_402 : f32 to vector<1024x1xf32>
    %max3A_405 = arith.maximumf %max3A_404, %add3A_401 : vector<1024x1xf32>
    %min3A = vector.broadcast %jit3A_403 : f32 to vector<1024x1xf32>
    %min3A_406 = arith.minimumf %min3A, %max3A_405 : vector<1024x1xf32>
    %mul3A_407 = arith.mulf %min3A_406, %convert_element_type3A_398 : vector<1024x1xf32>
    %sub3A_408 = arith.constant 1.000000e+00 : f32
    %sub3A_409 = vector.broadcast %sub3A_408 : f32 to vector<1024x1xf32>
    %sub3A_410 = arith.subf %sub3A_409, %convert_element_type3A_398 : vector<1024x1xf32>
    %mul3A_411 = arith.constant 6.500000e+01 : f32
    %mul3A_412 = vector.broadcast %mul3A_411 : f32 to vector<1024x1xf32>
    %mul3A_413 = arith.mulf %sub3A_410, %mul3A_412 : vector<1024x1xf32>
    %add3A_414 = arith.addf %mul3A_407, %mul3A_413 : vector<1024x1xf32>
    %iota3A_415 = tpu.iota {dimensions = array<i32: 1>} : vector<1x66xi32>
    %convert_element_type3A_416 = arith.sitofp %iota3A_415 : vector<1x66xi32> to vector<1x66xf32>
    %eq3A_417 = vector.broadcast %convert_element_type3A_416 : vector<1x66xf32> to vector<1024x66xf32>
    %eq3A_418 = vector.broadcast %add3A_414 : vector<1024x1xf32> to vector<1024x66xf32>
    %eq3A_419 = arith.cmpf oeq, %eq3A_417, %eq3A_418 : vector<1024x66xf32>
    %convert_element_type3A_420 = arith.extui %eq3A_419 : vector<1024x66xi1> to vector<1024x66xi32>
    %convert_element_type3A_421 = arith.sitofp %convert_element_type3A_420 : vector<1024x66xi32> to vector<1024x66xf32>
    %convert_element_type3A_422 = arith.truncf %convert_element_type3A_421 : vector<1024x66xf32> to vector<1024x66xbf16>
    %get3A_423 = arith.constant 0 : index
    %get3A_424 = arith.constant 0 : index
    %get3A_425 = vector.load %arg3[%get3A_423, %get3A_424] : memref<66x16xf32, #tpu.memory_space<vmem>>, vector<66x16xf32>
    %convert_element_type3A_426 = arith.truncf %get3A_425 : vector<66x16xf32> to vector<66x16xbf16>
    %dot_general3A = arith.constant dense<0.000000e+00> : vector<1024x16xf32>
    %dot_general3A_427 = tpu.matmul %convert_element_type3A_422, %convert_element_type3A_426, %dot_general3A {dimension_numbers = #tpu.dot_dimension_numbers<[1], [0], [0], [1], [0, 0, 1, 1], [], []>, transpose_lhs_hint = false} : vector<1024x66xbf16>, vector<66x16xbf16>, vector<1024x16xf32> -> vector<1024x16xf32>
    %get3A_428 = arith.constant 0 : index
    %get3A_429 = arith.constant 0 : index
    %get3A_430 = vector.load %arg4[%get3A_428, %get3A_429] : memref<1x16xf32, #tpu.memory_space<vmem>>, vector<1x16xf32>
    %add3A_431 = vector.broadcast %get3A_430 : vector<1x16xf32> to vector<1024x16xf32>
    %add3A_432 = arith.addf %dot_general3A_427, %add3A_431 : vector<1024x16xf32>
    %concatenate3A_433 = tpu.concatenate %add3A_432, %exp3A, %div3A_229, %div3A_230, %div3A_231, %div3A_391, %div3A_392, %div3A_393, %div3A_394 in 1 : vector<1024x16xf32>, vector<1024x144xf32>, vector<1024x1xf32>, vector<1024x1xf32>, vector<1024x1xf32>, vector<1024x1xf32>, vector<1024x1xf32>, vector<1024x1xf32>, vector<1024x1xf32> -> vector<1024x167xf32>
    %convert_element_type3A_434 = arith.truncf %concatenate3A_433 : vector<1024x167xf32> to vector<1024x167xbf16>
    %get3A_435 = arith.constant 0 : index
    %get3A_436 = arith.constant 0 : index
    %get3A_437 = vector.load %arg5[%get3A_435, %get3A_436] : memref<167x128xf32, #tpu.memory_space<vmem>>, vector<167x128xf32>
    %convert_element_type3A_438 = arith.truncf %get3A_437 : vector<167x128xf32> to vector<167x128xbf16>
    %dot_general3A_439 = arith.constant dense<0.000000e+00> : vector<1024x128xf32>
    %dot_general3A_440 = tpu.matmul %convert_element_type3A_434, %convert_element_type3A_438, %dot_general3A_439 {dimension_numbers = #tpu.dot_dimension_numbers<[1], [0], [0], [1], [0, 0, 1, 1], [], []>, transpose_lhs_hint = false} : vector<1024x167xbf16>, vector<167x128xbf16>, vector<1024x128xf32> -> vector<1024x128xf32>
    %reduce_sum3A_441 = arith.constant dense<0.000000e+00> : vector<1024xf32>
    %reduce_sum3A_442 = vector.multi_reduction <add>, %dot_general3A_440, %reduce_sum3A_441 [1] : vector<1024x128xf32> to vector<1024xf32>
    %broadcast_in_dim3A_443 = vector.shape_cast %reduce_sum3A_442 : vector<1024xf32> to vector<1024x1xf32>
    %div3A_444 = arith.constant 1.280000e+02 : f32
    %div3A_445 = vector.broadcast %div3A_444 : f32 to vector<1024x1xf32>
    %div3A_446 = arith.divf %broadcast_in_dim3A_443, %div3A_445 : vector<1024x1xf32>
    %sub3A_447 = vector.broadcast %div3A_446 : vector<1024x1xf32> to vector<1024x128xf32>
    %sub3A_448 = arith.subf %dot_general3A_440, %sub3A_447 : vector<1024x128xf32>
    %sub3A_449 = vector.broadcast %div3A_446 : vector<1024x1xf32> to vector<1024x128xf32>
    %sub3A_450 = arith.subf %dot_general3A_440, %sub3A_449 : vector<1024x128xf32>
    %mul3A_451 = arith.mulf %sub3A_448, %sub3A_450 : vector<1024x128xf32>
    %reduce_sum3A_452 = arith.constant dense<0.000000e+00> : vector<1024xf32>
    %reduce_sum3A_453 = vector.multi_reduction <add>, %mul3A_451, %reduce_sum3A_452 [1] : vector<1024x128xf32> to vector<1024xf32>
    %broadcast_in_dim3A_454 = vector.shape_cast %reduce_sum3A_453 : vector<1024xf32> to vector<1024x1xf32>
    %div3A_455 = arith.constant 1.280000e+02 : f32
    %div3A_456 = vector.broadcast %div3A_455 : f32 to vector<1024x1xf32>
    %div3A_457 = arith.divf %broadcast_in_dim3A_454, %div3A_456 : vector<1024x1xf32>
    %sub3A_458 = vector.broadcast %div3A_446 : vector<1024x1xf32> to vector<1024x128xf32>
    %sub3A_459 = arith.subf %dot_general3A_440, %sub3A_458 : vector<1024x128xf32>
    %add3A_460 = arith.constant 9.99999974E-6 : f32
    %add3A_461 = vector.broadcast %add3A_460 : f32 to vector<1024x1xf32>
    %add3A_462 = arith.addf %div3A_457, %add3A_461 : vector<1024x1xf32>
    %sqrt3A_463 = math.sqrt %add3A_462 : vector<1024x1xf32>
    %div3A_464 = vector.broadcast %sqrt3A_463 : vector<1024x1xf32> to vector<1024x128xf32>
    %div3A_465 = arith.divf %sub3A_459, %div3A_464 : vector<1024x128xf32>
    %get3A_466 = arith.constant 0 : index
    %get3A_467 = arith.constant 0 : index
    %get3A_468 = vector.load %arg6[%get3A_466, %get3A_467] : memref<1x128xf32, #tpu.memory_space<vmem>>, vector<1x128xf32>
    %mul3A_469 = vector.broadcast %get3A_468 : vector<1x128xf32> to vector<1024x128xf32>
    %mul3A_470 = arith.mulf %div3A_465, %mul3A_469 : vector<1024x128xf32>
    %get3A_471 = arith.constant 0 : index
    %get3A_472 = arith.constant 0 : index
    %get3A_473 = vector.load %arg7[%get3A_471, %get3A_472] : memref<1x128xf32, #tpu.memory_space<vmem>>, vector<1x128xf32>
    %add3A_474 = vector.broadcast %get3A_473 : vector<1x128xf32> to vector<1024x128xf32>
    %add3A_475 = arith.addf %mul3A_470, %add3A_474 : vector<1024x128xf32>
    %swap3A = arith.constant 0 : index
    %swap3A_476 = arith.constant 0 : index
    %swap3A_477 = vector.load %arg8[%swap3A, %swap3A_476] : memref<1024x128xf32, #tpu.memory_space<vmem>>, vector<1024x128xf32>
    tpu.vector_store %arg8[%swap3A, %swap3A_476], %add3A_475 {strides = array<i32>} : memref<1024x128xf32, #tpu.memory_space<vmem>>, vector<1024x128xf32>,
    return
  }
  func.func @transform_0(%arg0: i32) -> (i32, i32) {
    %c0_i32 = arith.constant 0 : i32
    %c0_i32_0 = arith.constant 0 : i32
    return %arg0, %c0_i32 : i32, i32
  }
  func.func @transform_1(%arg0: i32) -> (i32, i32) {
    %c0_i32 = arith.constant 0 : i32
    %c0_i32_0 = arith.constant 0 : i32
    return %arg0, %c0_i32 : i32, i32
  }
  func.func @transform_2(%arg0: i32) -> (i32, i32) {
    %c0_i32 = arith.constant 0 : i32
    %c0_i32_0 = arith.constant 0 : i32
    %c0_i32_1 = arith.constant 0 : i32
    return %c0_i32, %c0_i32_0 : i32, i32
  }
  func.func @transform_3(%arg0: i32) -> (i32, i32) {
    %c0_i32 = arith.constant 0 : i32
    %c0_i32_0 = arith.constant 0 : i32
    %c0_i32_1 = arith.constant 0 : i32
    return %c0_i32, %c0_i32_0 : i32, i32
  }
  func.func @transform_4(%arg0: i32) -> (i32, i32) {
    %c0_i32 = arith.constant 0 : i32
    %c0_i32_0 = arith.constant 0 : i32
    %c0_i32_1 = arith.constant 0 : i32
    return %c0_i32, %c0_i32_0 : i32, i32
  }
  func.func @transform_5(%arg0: i32) -> (i32, i32) {
    %c0_i32 = arith.constant 0 : i32
    %c0_i32_0 = arith.constant 0 : i32
    %c0_i32_1 = arith.constant 0 : i32
    return %c0_i32, %c0_i32_0 : i32, i32
  }
  func.func @transform_6(%arg0: i32) -> (i32, i32) {
    %c0_i32 = arith.constant 0 : i32
    %c0_i32_0 = arith.constant 0 : i32
    %c0_i32_1 = arith.constant 0 : i32
    return %c0_i32, %c0_i32_0 : i32, i32
  }
  func.func @transform_7(%arg0: i32) -> (i32, i32) {
    %c0_i32 = arith.constant 0 : i32
    %c0_i32_0 = arith.constant 0 : i32
    return %arg0, %c0_i32 : i32, i32
  }
}

</mosaic_0001>

<sc_bundles>
// kernel: kernel.5.cloned.1.call-start
scs
__scs_entry_jumppad:
0x0: {  	(pc) =	sbr.rel $0x88, $3  }
0x1: {  	(tag) =	ssettag $0x0;
	lr =	simm.s32 $0x1  }
0x2: {  	[smem:$0x3F99] =	sst lr;
	_ =	strace $0xD0000000  }
0x3: {  	_ = 	snop  }
0x4: {  	_ = 	snop  }
0x5: {  	_ = 	snop  }
0x6: {  	_ = 	snop  }
0x7: {  	_ = 	snop  }
__scs_overlays_trampoline_lowered:
0x8: {  	[smem:$0x3FA8] =	sst s0  }
0x9: {  	[smem:$0x3FA9] =	sst s1  }
0xa: {  	[smem:$0x3FAA] =	sst s2  }
0xb: {  	[smem:$0x3FAB] =	sst s3  }
0xc: {  	[smem:$0x3FAC] =	sst s4  }
0xd: {  	[smem:$0x3FAD] =	sst s5  }
0xe: {  	[smem:$0x3FAE] =	sst s6  }
0xf: {  	[smem:$0x3FAF] =	sst s7  }
0x10: {  	[smem:$0x3FB0] =	sst s8  }
0x11: {  	[smem:$0x3FB1] =	sst s9;
	s0 =	simm.s32 @!p0 $0x0  }
0x12: {  	s1 =	sld [smem:$0x3F97];
	s0 =	simm.s32 @p0 $0x1  }
0x13: {  	[smem:$0x3FB2] =	sst s0;
	s0 =	simm.s32 @!p1 $0x0  }
0x14: {  	s2 =	sld [smem:$0x3F96];
	s0 =	simm.s32 @p1 $0x1  }
0x15: {  	[smem:$0x3FB3] =	sst s0;
	s0 =	simm.s32 @!p2 $0x0  }
0x16: {  	s3 =	sld [smem:$0x3FDB];
	s0 =	simm.s32 @p2 $0x1  }
0x17: {  	s4 =	simm.s32 $0x1BF5;
	[smem:$0x3FB5] =	sst s0  }
0x18: {  	s0 =	sld [smem:$0x3F98];
	_ =	swait.ge [sflag:s4], $0x0  }
0x19: {  	s7 =	sld [smem:$0x3F99]  }
0x1a: {  	s8 =	sadd.s32 $0xFFFFE003, lr  }
0x1b: {  	s9 =	sadd.s32 $0xFFFFFEF7, lr;
	s5 =	simm.s32 $0xFFFFFFFF;
	p2 =	slt.u32 s8, $0xFFFFF086  }
0x1c: {  	p1 =	slt.u32 s9, $0xF7A;
	s5 =	simm.s32 @!p2 $0x0  }
0x1d: {  	s5 =	simm.s32 @p1 $0x1;
	p0 =	seq.s32 s7, s2  }
0x1e: {  	s7 =	smul.u32 @!p0 $0xF7A, s2;
	p2 =	seq.s32 @!p0 s5, $0x0  }
0x1f: {  	s9 =	smul.u32 $0xF7A, s1;
	s8 =	simm.s32 @!p0 $0x1BF5;
	p2 =	por !p2, p0  }
0x20: {  	[sflag:s8] =	ssyncset.s32 @!p0 $0xFFFFF086;
	s6 =	sadd.s32 @!p0 s3, s7;
	s7 =	simm.s32 @!p0 $0x108  }
0x21: {  	s3 =	sadd.s32 s3, s9;
	s6 =	sadd.s32 @!p0 $0x88, s6;
	s7 =	simm.s32 @p2 $0x1082  }
0x22: {  	[simem:s7], [sflag:s8] =	dma.local @!p0 [hbm:s6], $0xF7A  }
0x23: {  	s9 =	sor.u32 $0xD0000000, s2;
	s6 =	simm.s32 $0x108;
	_ =	swait.ge @!p0 [sflag:s8], $0x0  }
0x24: {  	s3 =	sadd.s32 $0x88, s3;
	s6 =	simm.s32 @!p1 $0x1082;
	[sflag:s4] =	ssyncset.s32 $0xFFFFF086  }
0x25: {  	[simem:s6], [sflag:s4] =	dma.local [hbm:s3], $0xF7A  }
0x26: {  	[smem:$0x3F99] =	sst s1;
	(tag) =	ssettag s2;
	_ =	strace s9  }
0x27: {  	s1 =	sld [smem:$0x3FA9]  }
0x28: {  	s2 =	sld [smem:$0x3FAA]  }
0x29: {  	s4 =	sld [smem:$0x3FAC]  }
0x2a: {  	p0 =	seq.s32 s5, $0x0;
	s5 =	sld [smem:$0x3FAD]  }
0x2b: {  	s6 =	sld [smem:$0x3FAE]  }
0x2c: {  	s7 =	sld [smem:$0x3FAF]  }
0x2d: {  	s3 =	simm.s32 $0x108;
	s8 =	sld [smem:$0x3FB0]  }
0x2e: {  	s3 =	simm.s32 @!p0 $0x1082;
	s9 =	sld [smem:$0x3FB1]  }
0x2f: {  	lr =	sadd.s32 s0, s3;
	s0 =	sld [smem:$0x3FA8]  }
0x30: {  	s3 =	sld [smem:$0x3FAB]  }
0x31: {  	[smem:$0x3FB4] =	sst s10  }
0x32: {  	s10 =	sld [smem:$0x3FB2];
	_ =	sdelay $0x3  }
0x33: {  	p0 =	seq.s32 s10, $0x1;
	s10 =	sld [smem:$0x3FB4];
	_ =	sdelay $0x3  }
0x34: {  	[smem:$0x3FB4] =	sst s10  }
0x35: {  	s10 =	sld [smem:$0x3FB3];
	_ =	sdelay $0x3  }
0x36: {  	p1 =	seq.s32 s10, $0x1;
	s10 =	sld [smem:$0x3FB4];
	_ =	sdelay $0x3  }
0x37: {  	[smem:$0x3FB4] =	sst s10  }
0x38: {  	s10 =	sld [smem:$0x3FB5]  }
0x39: {  	_ = 	snop;
	(pc) =	sbr.ind lr, $3  }
0x3a: {  	_ = 	snop  }
0x3b: {  	_ = 	snop  }
0x3c: {  	p2 =	seq.s32 s10, $0x1;
	s10 =	sld [smem:$0x3FB4]  }
0x3d: {  	_ =	shalt  }
0x3e: {  	_ =	shalt  }
0x3f: {  	_ =	shalt  }
0x40: {  	_ =	shalt  }
0x41: {  	_ =	shalt  }
0x42: {  	_ =	shalt  }
0x43: {  	_ =	shalt  }
0x44: {  	_ =	shalt  }
0x45: {  	_ =	shalt  }
0x46: {  	_ =	shalt  }
0x47: {  	_ =	shalt  }
0x48: {  	_ =	shalt  }
0x49: {  	_ =	shalt  }
0x4a: {  	_ =	shalt  }
0x4b: {  	_ =	shalt  }
0x4c: {  	_ =	shalt  }
0x4d: {  	_ =	shalt  }
0x4e: {  	_ =	shalt  }
0x4f: {  	_ =	shalt  }
0x50: {  	_ =	shalt  }
0x51: {  	_ =	shalt  }
0x52: {  	_ =	shalt  }
0x53: {  	_ =	shalt  }
0x54: {  	_ =	shalt  }
0x55: {  	_ =	shalt  }
0x56: {  	_ =	shalt  }
0x57: {  	_ =	shalt  }
0x58: {  	_ =	shalt  }
0x59: {  	_ =	shalt  }
0x5a: {  	_ =	shalt  }
0x5b: {  	_ =	shalt  }
0x5c: {  	_ =	shalt  }
0x5d: {  	_ =	shalt  }
0x5e: {  	_ =	shalt  }
0x5f: {  	_ =	shalt  }
0x60: {  	_ =	shalt  }
0x61: {  	_ =	shalt  }
0x62: {  	_ =	shalt  }
0x63: {  	_ =	shalt  }
0x64: {  	_ =	shalt  }
0x65: {  	_ =	shalt  }
0x66: {  	_ =	shalt  }
0x67: {  	_ =	shalt  }
0x68: {  	_ =	shalt  }
0x69: {  	_ =	shalt  }
0x6a: {  	_ =	shalt  }
0x6b: {  	_ =	shalt  }
0x6c: {  	_ =	shalt  }
0x6d: {  	_ =	shalt  }
0x6e: {  	_ =	shalt  }
0x6f: {  	_ =	shalt  }
0x70: {  	_ =	shalt  }
0x71: {  	_ =	shalt  }
0x72: {  	_ =	shalt  }
0x73: {  	_ =	shalt  }
0x74: {  	_ =	shalt  }
0x75: {  	_ =	shalt  }
0x76: {  	_ =	shalt  }
0x77: {  	_ =	shalt  }
0x78: {  	_ =	shalt  }
0x79: {  	_ =	shalt  }
0x7a: {  	_ =	shalt  }
0x7b: {  	_ =	shalt  }
0x7c: {  	_ =	shalt  }
0x7d: {  	_ =	shalt  }
0x7e: {  	_ =	shalt  }
0x7f: {  	_ =	shalt  }
0x80: {  	_ =	shalt  }
0x81: {  	_ =	shalt  }
0x82: {  	_ =	shalt  }
0x83: {  	_ =	shalt  }
0x84: {  	_ =	shalt  }
0x85: {  	_ =	shalt  }
0x86: {  	_ =	shalt  }
0x87: {  	_ =	shalt  }
.Lfunc_end0:
.L_simem_size_0:
called_computation.1_lowered:
.L_overlay_start_0:
0x88: {  	s2 =	sld [smem:$0x3FD9]  }
0x89: {  	s3 =	sld [smem:$0x3FFE];
	_ =	sdelay $0x1  }
0x8a: {  	s1 =	srdreg.scid  }
0x8b: {  	s0 =	sand.u32 $0x1, s1  }
0x8c: {  	s14 =	sshll.u32 s0, $0xA;
	s2 =	sadd.s32 s3, s2  }
0x8d: {  	s2 =	sadd.s32 s2, s14  }
0x8e: {  	[smem:$0x3FC0] =	sst s2  }
0x8f: {  	_ = 	snop  }
0x90: {  	s2 =	sld [smem:$0x3FD0];
	_ =	sdelay $0x2  }
0x91: {  	s15 =	simm.s32 $0xA;
	s4 =	simm.s32 $0x10  }
0x92: {  	[smem:s4], [sflag:s15] =	dma.local [hbm:s2], $0x1  }
0x93: {  	_ =	swait.eq [sflag:s15], $0x1  }
0x94: {  	[sflag:s15] =	ssyncset.done $0x0  }
0x95: {  	[sflag:s15] =	ssyncadd.s32 $0xFFFFFFFF  }
0x96: {  	s16 =	sld [smem:$0x11];
	(tm) =	ssettm $0x1  }
0x97: {  	s17 =	sld [smem:$0x3FFB];
	_ =	sdelay $0x3  }
0x98: {  	_ =	strace s17  }
0x99: {  	s3 =	sld [smem:$0x3FFC];
	_ =	sdelay $0x3  }
0x9a: {  	_ =	strace s3  }
0x9b: {  	s3 =	sld [smem:$0x3FFD];
	_ =	sdelay $0x3  }
0x9c: {  	_ =	strace s3  }
0x9d: {  	_ =	strace $0x8FFFFFFF  }
0x9e: {  	s18 =	sld [smem:$0x3FDB];
	_ =	sdelay $0x1  }
0x9f: {  	s19 =	simm.s32 $_scs_section_size  }
0xa0: {  	s5 =	simm.s32 $_size__tile_overlayer_lowered;
	s6 =	simm.s32 $_tile_overlayer_lowered  }
0xa1: {  	s22 =	simm.s32 $0x1BFF;
	s21 =	sshll.u32 s6, $0x1;
	s3 =	sadd.s32 s19, s18  }
0xa2: {  	s7 =	simm.s32 $0x0;
	s20 =	sshll.u32 s5, $0x1;
	s5 =	sadd.s32 s21, s3  }
0xa3: {  	[timem:s7], [sflag:s22] =	dma.local [hbm:s5], s20  }
0xa4: {  	_ =	swait.ge [sflag:s22], s20  }
0xa5: {  	s4 =	ssub.s32 $0x0, s20;
	[sflag:s22] =	ssyncset.done $0x0  }
0xa6: {  	[sflag:s22] =	ssyncadd.s32 s4;
	_ =	sdelay $0x1  }
0xa7: {  	s23 =	simm.s32 $0x1B8B  }
0xa8: {  	_ =	swait.ge [sflag:s23], $0x1  }
0xa9: {  	[sflag:s23] =	ssyncset.done $0x0  }
0xaa: {  	s25 =	simm.s32 $0x1B8E;
	s24 =	sld [smem:$0x3FFE];
	[sflag:s23] =	ssyncadd.s32 $0xFFFFFFFF  }
0xab: {  	s26 =	simm.s32 $execute0_lowered;
	[smem:$0x3FD2] =	sst s25  }
0xac: {  	s5 =	sshll.u32 s26, $0x1;
	_ =	strace $0x80000046;
	[dreg:$0x1] =	wrdreg $0xFFFFFFFF  }
0xad: {  	s28 =	simm.s32 $_size_execute0_lowered;
	s3 =	sadd.s32 s3, s5;
	[dreg:$0x0] =	wrdreg $0x0  }
0xae: {  	s5 =	sshll.u32 s28, $0x1;
	[dreg:$0x2] =	wrdreg s3  }
0xaf: {  	[dreg:$0x3] =	wrdreg s5  }
0xb0: {  	[dreg:$0x4] =	wrdreg $0xC0  }
0xb1: {  	_ =	task [dreg:s7], $0x5FFFF  }
0xb2: {  	[dreg:$0x1] =	wrdreg $0xFFFFFFFF  }
0xb3: {  	[dreg:$0x0] =	wrdreg $0x60  }
0xb4: {  	[dreg:$0x2] =	wrdreg s24  }
0xb5: {  	[dreg:$0x3] =	wrdreg s16  }
0xb6: {  	[dreg:$0x4] =	wrdreg $0x9  }
0xb7: {  	_ =	task.clear_ibuf [dreg:s7], $0x5FFFF;
	_ =	strace $0x90000046  }
0xb8: {  	s29 =	simm.s32 $0x9;
	_ =	strace $0x80000048  }
0xb9: {  	_ =	swait.ge [sflag:s29], $0x1  }
0xba: {  	[sflag:s29] =	ssyncadd.s32 $0xFFFFFFFF  }
0xbb: {  	_ =	strace $0x90000048  }
0xbc: {  	_ =	sfence  }
0xbd: {  	s30 =	sld [smem:$0x0];
	_ =	sdelay $0x2  }
0xbe: {  	s31 =	sshll.u32 s1, $0xD;
	s1 =	sshrl.u32 s1, $0x2  }
0xbf: {  	s3 =	sand.u32 $0x4000, s31;
	s1 =	sadd.s32 s1, s30  }
0xc0: {  	s0 =	sor.u32 s3, s0;
	s1 =	sshll.u32 s1, $0x11  }
0xc1: {  	s0 =	sor.u32 s1, s0  }
0xc2: {  	s0 =	sadd.s32 $0x8F2B, s0  }
0xc3: {  	[sflag:s0] =	ssyncadd.remote.s32 $0x1  }
0xc4: {  	_ =	sfence.sel $0xFFFF  }
0xc5: {  	[dreg:$0x0] =	wrdreg $0xFFFFFFFF;
	(pc) =	sbr.abs _section_cstart, $3  }
0xc6: {  	[dreg:$0x1] =	wrdreg $0xFFFFFFFF  }
0xc7: {  	_ =	task.clear_ibuf [dreg:s7], $0x2FFFF;
	_ =	strace $0x9FFFFFFF  }
0xc8: {  	(tm) =	ssettm $0x7FFFFFFF  }
0xc9: {  	_ =	shalt  }
tec
execute0_lowered:
.L_overlay_start_1:
0x0: {  	(tag) =	ssettag $0x1  }
0x1: {  	s3 =	rddreg [dreg:$0x0]  }
0x2: {  	s6 =	rddreg [dreg:$0x1]  }
0x3: {  	s0 =	rddreg [dreg:$0x2];
	s1 =	stileid.u32  }
0x4: {  	s2 =	simm.s32 $0x0;
	s5 =	srdreg.scid;
	s4 =	smul.u32 $0x7800, s1  }
0x5: {  	[smem:$0x7FF] =	sst s2;
	s5 =	sand.u32 $0x1, s5;
	s7 =	smul.u32 $0x1E00, s1  }
0x6: {  	_ =	strace $0x80000047;
	s8 =	ssub.s32 $0x2, s5;
	s9 =	smul.u32 $0xF00, s5  }
0x7: {  	s5 =	smul.u32 $0x3C00, s5;
	s10 =	sadd.s32 s4, s3;
	s31 =	sshrl.u32 s8, $0x1  }
0x8: {  	s3 =	sadd.s32 $0x11E00, s3;
	s4 =	ssub.s32 s8, s31;
	s7 =	sadd.s32 s9, s7  }
0x9: {  	s5 =	sadd.s32 s5, s10;
	s8 =	simm.s32 $0x80;
	s9 =	simm.s32 $0x1  }
0xa: {  	s10 =	simm.s32 $0x0;
	s4 =	smax.u32 s4, $0x1;
	s7 =	sshrl.u32 s7, $0x3  }
0xb: {  	s5 =	sadd.s32 $0x15E00, s5;
	s6 =	sadd.s32 s7, s6;
	s7 =	simm.s32 $0x2  }
.LBB2_1:
0xc: {  	s11 =	sadd.s32 $0x0, s6  }
0xd: {  	[tilespmem:s2], [sflag:$0x2] =	stream.linear.gather [hbm4b:s11+s2], $0x80, $0x38;
	[tilespmem:$0x1080] =	vst v63  }
0xe: {  	_ =	swait.ge [sflag:s7], $0x80  }
0xf: {  	[sflag:s7] =	ssyncset.done $0x0  }
0x10: {  	[sflag:s7] =	ssyncadd.s32 $0xFFFFFF80  }
0x11: {  	[tilespmem:s8], [sflag:$0x1] =	stream.indirect.gather [hbm4b:s3+s8], $0x20, s2, s8, $0xb8;
	[tilespmem:$0x1080] =	vst v63  }
0x12: {  	_ =	swait.ge [sflag:s9], $0x1000  }
0x13: {  	[sflag:s9] =	ssyncset.done $0x0  }
0x14: {  	[sflag:s9] =	ssyncadd.s32 $0xFFFFF000  }
0x15: {  	[hbm4b:s5+s2] =	stream.linear.scatter [tilespmem:s8], [sflag:$0x2], $0x1000, $0x38;
	[tilespmem:$0x1080] =	vst v63  }
0x16: {  	s12 =	simm.s32 $0x10;
	_ =	swait.ge [sflag:s7], $0x1000  }
0x17: {  	s13 =	simm.s32 $0x20;
	s11 =	sadd.s32 $0x200, s5;
	[sflag:s7] =	ssyncset.done $0x0  }
.LBB2_2:
0x18: {  	s14 =	sadd.s32 s12, s6  }
0x19: {  	[sflag:s7] =	ssyncadd.s32 $0xFFFFF000;
	s12 =	smov.u32 s13;
	s15 =	sadd.s32 $0x10, s13  }
0x1a: {  	[tilespmem:s2], [sflag:$0x2] =	stream.linear.gather [hbm4b:s14+s2], $0x80, $0x38;
	[tilespmem:$0x1080] =	vst v63  }
0x1b: {  	p0 =	sne.s32 s13, $0x1D0;
	_ =	swait.ge [sflag:s7], $0x80  }
0x1c: {  	[sflag:s7] =	ssyncset.done $0x0  }
0x1d: {  	[sflag:s7] =	ssyncadd.s32 $0xFFFFFF80  }
0x1e: {  	[tilespmem:s8], [sflag:$0x1] =	stream.indirect.gather [hbm4b:s3+s8], $0x20, s2, s8, $0xb8;
	[tilespmem:$0x1080] =	vst v63  }
0x1f: {  	_ =	swait.ge [sflag:s9], $0x1000  }
.Ltmp0:
0x20: {  	[sflag:s9] =	ssyncset.done $0x0;
	(pc) =	sbr.rel @p0 .LBB2_2-.Ltmp0, $4  }
0x21: {  	[sflag:s9] =	ssyncadd.s32 $0xFFFFF000  }
0x22: {  	[hbm4b:s11+s2] =	stream.linear.scatter [tilespmem:s8], [sflag:$0x2], $0x1000, $0x38;
	[tilespmem:$0x1080] =	vst v63  }
0x23: {  	_ =	swait.ge [sflag:s7], $0x1000  }
0x24: {  	s13 =	smov.u32 s15;
	s11 =	sadd.s32 $0x200, s11;
	[sflag:s7] =	ssyncset.done $0x0  }
0x25: {  	s12 =	sadd.s32 s12, s6;
	[sflag:s7] =	ssyncadd.s32 $0xFFFFF000  }
0x26: {  	[tilespmem:s2], [sflag:$0x2] =	stream.linear.gather [hbm4b:s12+s2], $0x80, $0x38;
	[tilespmem:$0x1080] =	vst v63  }
0x27: {  	_ =	swait.ge [sflag:s7], $0x80  }
0x28: {  	[sflag:s7] =	ssyncset.done $0x0  }
0x29: {  	[sflag:s7] =	ssyncadd.s32 $0xFFFFFF80  }
0x2a: {  	[tilespmem:s8], [sflag:$0x1] =	stream.indirect.gather [hbm4b:s3+s8], $0x20, s2, s8, $0xb8;
	[tilespmem:$0x1080] =	vst v63  }
0x2b: {  	s10 =	sadd.s32 $0x1, s10;
	_ =	swait.ge [sflag:s9], $0x1000  }
0x2c: {  	p0 =	sne.s32 s10, s4;
	[sflag:s9] =	ssyncset.done $0x0  }
.Ltmp1:
0x2d: {  	[sflag:s9] =	ssyncadd.s32 $0xFFFFF000;
	(pc) =	sbr.rel @p0 .LBB2_1-.Ltmp1, $4  }
0x2e: {  	[hbm4b:s11+s2] =	stream.linear.scatter [tilespmem:s8], [sflag:$0x2], $0x1000, $0x38;
	[tilespmem:$0x1080] =	vst v63  }
0x2f: {  	_ =	swait.ge [sflag:s7], $0x1000  }
0x30: {  	[sflag:s7] =	ssyncset.done $0x0  }
0x31: {  	[sflag:s7] =	ssyncadd.s32 $0xFFFFF000  }
0x32: {  	_ =	sfence.sel $0x180000  }
0x33: {  	[bflag:$0x0] =	sbarrier.arrive $0xFFFF  }
0x34: {  	p0 =	sne.s32 s1, $0x0;
	_ =	strace $0x90000047  }
0x35: {  	s0 =	sadd.s32 @!p0 $0x100000, s0;
	[bflag:$0x2] =	sbarrier.arrive $0xFFFF  }
0x36: {  	[sflag:s0] =	ssyncadd.tile.s32 @!p0 $0x1;
	_ =	shalt  }
.Lfunc_end2:
_tile_overlayer_lowered:
.L_overlay_start_2:
0x37: {  	(tag) =	ssettag $0x2  }
0x38: {  	s0 =	rddreg [dreg:$0x0];
	s2 =	stileid.u32  }
0x39: {  	s1 =	rddreg [dreg:$0x1];
	p0 =	sne.s32 s2, $0x0  }
0x3a: {  	s3 =	rddreg [dreg:$0x2];
	[bflag:$0x3] =	sbarrier.arrive $0xFFFF;
	s2 =	simm.s32 @!p0 $0x1C02  }
0x3b: {  	[timem:s3], [sflag:s2] =	dma.local @!p0 [hbm:s0], s1  }
0x3c: {  	s0 =	simm.s32 @!p0 $0x2  }
0x3d: {  	_ =	swait.ge @!p0 [sflag:s0], s1  }
0x3e: {  	s1 =	ssub.s32 @!p0 $0x0, s1;
	[sflag:s0] =	ssyncset.done @!p0 $0x0  }
0x3f: {  	[sflag:s0] =	ssyncadd.s32 @!p0 s1  }
0x40: {  	[bflag:$0x3] =	sbarrier.arrive $0xFFFF  }
0x41: {  	_ =	shalt  }

// kernel: sparse-core-data-format-call.cloned.1.call-start
scs
called_computation_lowered:
.L_overlay_start_0:
0x0: {  	s2 =	sld [smem:$0x3FD9]  }
0x1: {  	s3 =	sld [smem:$0x3FFE];
	_ =	sdelay $0x1  }
0x2: {  	s1 =	srdreg.scid  }
0x3: {  	s0 =	sand.u32 $0x1, s1  }
0x4: {  	s15 =	sshll.u32 s0, $0xA;
	s2 =	sadd.s32 s3, s2  }
0x5: {  	s2 =	sadd.s32 s2, s15  }
0x6: {  	[smem:$0x3FC0] =	sst s2  }
0x7: {  	_ = 	snop  }
0x8: {  	s2 =	sld [smem:$0x3FD0];
	_ =	sdelay $0x2  }
0x9: {  	s16 =	simm.s32 $0xA;
	s4 =	simm.s32 $0x10  }
0xa: {  	[smem:s4], [sflag:s16] =	dma.local [hbm:s2], $0x1  }
0xb: {  	_ =	swait.eq [sflag:s16], $0x1  }
0xc: {  	[sflag:s16] =	ssyncset.done $0x0  }
0xd: {  	[sflag:s16] =	ssyncadd.s32 $0xFFFFFFFF  }
0xe: {  	s17 =	sld [smem:$0x10];
	(tm) =	ssettm $0x1  }
0xf: {  	s18 =	sld [smem:$0x3FFB];
	_ =	sdelay $0x3  }
0x10: {  	_ =	strace s18  }
0x11: {  	s3 =	sld [smem:$0x3FFC];
	_ =	sdelay $0x3  }
0x12: {  	_ =	strace s3  }
0x13: {  	s3 =	sld [smem:$0x3FFD];
	_ =	sdelay $0x3  }
0x14: {  	_ =	strace s3  }
0x15: {  	_ =	strace $0x8FFFFFFF  }
0x16: {  	s19 =	sld [smem:$0x3FDB];
	_ =	sdelay $0x1  }
0x17: {  	s20 =	simm.s32 $_scs_section_size  }
0x18: {  	s5 =	simm.s32 $_size__tile_overlayer_lowered;
	s6 =	simm.s32 $_tile_overlayer_lowered  }
0x19: {  	s23 =	simm.s32 $0x1BFF;
	s22 =	sshll.u32 s6, $0x1;
	s3 =	sadd.s32 s20, s19  }
0x1a: {  	s7 =	simm.s32 $0x0;
	s21 =	sshll.u32 s5, $0x1;
	s5 =	sadd.s32 s22, s3  }
0x1b: {  	[timem:s7], [sflag:s23] =	dma.local [hbm:s5], s21  }
0x1c: {  	_ =	swait.ge [sflag:s23], s21  }
0x1d: {  	s4 =	ssub.s32 $0x0, s21;
	[sflag:s23] =	ssyncset.done $0x0  }
0x1e: {  	[sflag:s23] =	ssyncadd.s32 s4;
	_ =	sdelay $0x1  }
0x1f: {  	s24 =	simm.s32 $0x1B8B  }
0x20: {  	_ =	swait.ge [sflag:s24], $0x1  }
0x21: {  	[sflag:s24] =	ssyncset.done $0x0  }
0x22: {  	s26 =	simm.s32 $0x1B8E;
	s25 =	sld [smem:$0x3FFE];
	[sflag:s24] =	ssyncadd.s32 $0xFFFFFFFF  }
0x23: {  	s27 =	simm.s32 $execute0_lowered;
	[smem:$0x3FD2] =	sst s26  }
0x24: {  	s5 =	sshll.u32 s27, $0x1;
	_ =	strace $0x80000049;
	[dreg:$0x1] =	wrdreg $0xFFFFFFFF  }
0x25: {  	s28 =	simm.s32 $_size_execute0_lowered;
	s3 =	sadd.s32 s3, s5;
	[dreg:$0x0] =	wrdreg $0x0  }
0x26: {  	s5 =	sshll.u32 s28, $0x1;
	[dreg:$0x2] =	wrdreg s3  }
0x27: {  	[dreg:$0x3] =	wrdreg s5  }
0x28: {  	[dreg:$0x4] =	wrdreg $0xC0  }
0x29: {  	_ =	task [dreg:s7], $0x5FFFF  }
0x2a: {  	[dreg:$0x1] =	wrdreg $0xFFFFFFFF  }
0x2b: {  	[dreg:$0x0] =	wrdreg $0x60  }
0x2c: {  	[dreg:$0x2] =	wrdreg s25  }
0x2d: {  	[dreg:$0x3] =	wrdreg s17  }
0x2e: {  	[dreg:$0x4] =	wrdreg $0x9  }
0x2f: {  	_ =	task.clear_ibuf [dreg:s7], $0x5FFFF;
	_ =	strace $0x90000049  }
0x30: {  	s29 =	simm.s32 $0x9;
	_ =	strace $0x8000004B  }
0x31: {  	_ =	swait.ge [sflag:s29], $0x1  }
0x32: {  	[sflag:s29] =	ssyncadd.s32 $0xFFFFFFFF  }
0x33: {  	_ =	strace $0x9000004B  }
0x34: {  	_ =	sfence  }
0x35: {  	s30 =	sld [smem:$0x0];
	_ =	sdelay $0x2  }
0x36: {  	s31 =	sshll.u32 s1, $0xD;
	s1 =	sshrl.u32 s1, $0x2  }
0x37: {  	s3 =	sand.u32 $0x4000, s31;
	s1 =	sadd.s32 s1, s30  }
0x38: {  	s0 =	sor.u32 s3, s0;
	s1 =	sshll.u32 s1, $0x11  }
0x39: {  	s0 =	sor.u32 s1, s0  }
0x3a: {  	s0 =	sadd.s32 $0x8F2B, s0  }
0x3b: {  	[sflag:s0] =	ssyncadd.remote.s32 $0x1  }
0x3c: {  	_ =	sfence.sel $0xFFFF  }
0x3d: {  	[dreg:$0x0] =	wrdreg $0xFFFFFFFF;
	(pc) =	sbr.abs _section_cstart, $3  }
0x3e: {  	[dreg:$0x1] =	wrdreg $0xFFFFFFFF  }
0x3f: {  	_ =	task.clear_ibuf [dreg:s7], $0x2FFFF;
	_ =	strace $0x9FFFFFFF  }
0x40: {  	(tm) =	ssettm $0x7FFFFFFF  }
0x41: {  	_ =	shalt  }
tec
execute0_lowered:
.L_overlay_start_1:
0x0: {  	(tag) =	ssettag $0x1  }
0x1: {  	s0 =	stileid.u32;
	s1 =	srdreg.scid  }
0x2: {  	s2 =	sshll.u32 s0, $0x5;
	s1 =	sshll.u32 s1, $0x9  }
0x3: {  	s1 =	sor.u32 s2, s1  }
0x4: {  	s7 =	rddreg [dreg:$0x0];
	s1 =	sand.u32 $0x3C0, s1  }
0x5: {  	s8 =	simm.s32 $0x2;
	s2 =	sand.u32 $0x1, s0;
	s3 =	ssub.s32 $0x800, s1  }
0x6: {  	s15 =	simm.s32 $0x0;
	s4 =	ssub.s32 $0x2, s2;
	s5 =	sand.u32 $0x3C0, s3  }
0x7: {  	s6 =	sshrl.u32 s4, $0x1;
	p0 =	sne.s32 s5, $0x0;
	s5 =	simm.s32 $0x1  }
0x8: {  	s4 =	sand.u32 $0x1, s4;
	s3 =	sshrl.u32 s3, $0xA;
	s5 =	simm.s32 @!p0 $0x0  }
0x9: {  	s9 =	simm.s32 $0x2000;
	s6 =	sadd.s32 s4, s6;
	s3 =	sadd.s32 s5, s3  }
0xa: {  	s10 =	simm.s32 $0x40000;
	s16 =	simm.s32 $0x0;
	s6 =	smul.u32 s3, s6  }
.Ltmp0:
0xb: {  	s17 =	simm.s32 $0x0;
	s11 =	simm.s32 $0x0;
	(pc) =	sbr.rel .LBB1_1-.Ltmp0, $4  }
0xc: {  	s14 =	simm.s32 $0x0;
	s4 =	rddreg [dreg:$0x1];
	s5 =	simm.s32 $0x1  }
0xd: {  	s3 =	rddreg [dreg:$0x2];
	_ =	strace $0x8000004A;
	s6 =	smul.u32 $0xF, s6  }
0xe: {  	s7 =	sadd.s32 $0x11E00, s7;
	s13 =	smov.u32 s2;
	[sflag:s5] =	ssyncpa.u1 $0x0  }
0xf: {  	s12 =	smov.u32 s1;
	[sflag:s8] =	ssyncpa.u1 $0x0;
	s8 =	sadd.s32 $0x1, s6  }
.LBB1_7:
0x10: {  	s18 =	sadd.s32 $0x2, s11  }
0x11: {  	s15 =	sadd.s32 $0x400, s12;
	s19 =	smov.u32 s12;
	p1 =	sgt.s32 s18, $0x1D  }
0x12: {  	s19 =	smov.u32 @p1 s15  }
0x13: {  	s21 =	smov.u32 s13;
	s15 =	sadd.s32 $0x2, s13;
	p2 =	sgt.s32 s19, $0x7FF  }
0x14: {  	s21 =	smov.u32 @p2 s15  }
0x15: {  	s18 =	simm.s32 @p1 $0x0;
	p1 =	sgt.s32 s21, $0x1  }
0x16: {  	p0 =	slt.u32 s14, $0x2;
	s21 =	smov.u32 @p1 s2;
	p1 =	sne.s32 s14, s8  }
.Ltmp1:
0x17: {  	s20 =	simm.s32 @!p0 $0x2;
	(pc) =	sbr.rel @!p1 .LBB1_8-.Ltmp1, $4  }
0x18: {  	s16 =	smov.u32 s12;
	_ =	swait.ge @!p0 [sflag:s20], $0x4000  }
0x19: {  	s17 =	smov.u32 s13;
	[sflag:s20] =	ssyncset.done @!p0 $0x0;
	s19 =	smov.u32 @p2 s1  }
0x1a: {  	s15 =	smov.u32 s11;
	[sflag:s20] =	ssyncadd.s32 @!p0 $0xFFFFC000;
	s11 =	smov.u32 s18  }
0x1b: {  	s12 =	smov.u32 s19;
	s14 =	sadd.s32 $0x1, s14;
	s13 =	smov.u32 s21  }
.LBB1_1:
0x1c: {  	p0 =	sge.u32 s14, s6;
	s31 =	sadd.s32 $0xFFFFFFFF, s14  }
0x1d: {  	s18 =	sxor.u32 @!p0 $0xFFFFFFFF, s14;
	s19 =	sshll.u32 @!p0 s13, $0x14;
	s20 =	sshll.u32 @!p0 s12, $0x9  }
0x1e: {  	s21 =	sshll.u32 @!p0 s11, $0x4;
	s18 =	sshll.u32 @!p0 s18, $0xE;
	s19 =	sadd.s32 @!p0 s7, s19  }
0x1f: {  	s21 =	sand.u32 @!p0 $0x1F0, s21;
	s18 =	sand.u32 @!p0 $0x4000, s18;
	s19 =	sadd.s32 @!p0 s20, s19  }
0x20: {  	s20 =	simm.s32 @!p0 $0x100;
	s19 =	sadd.s32 @!p0 s21, s19;
	s21 =	simm.s32 @!p0 $0x1000  }
0x21: {  	[tilespmem:s18], [sflag:$0x1] =	stream.strided.gather @!p0 [hbm4b:s19+s20], $0x4000, s21, s20, $0x38;
	[tilespmem:$0x10000] =	vst v63  }
0x22: {  	p0 =	sge.u32 s31, s6  }
.Ltmp2:
0x23: {  	_ = 	snop;
	(pc) =	sbr.rel @p0 .LBB1_7-.Ltmp2, $1  }
0x24: {  	_ =	sdelay $0x3  }
0x25: {  	_ =	swait.ge [sflag:s5], $0x4000;
	s18 =	sshll.u32 s14, $0xE  }
0x26: {  	[sflag:s5] =	ssyncset.done $0x0;
	s19 =	sand.u32 $0x4000, s18  }
0x27: {  	s20 =	simm.s32 $0x0;
	[sflag:s5] =	ssyncadd.s32 $0xFFFFC000;
	s18 =	sor.u32 $0x8000, s19  }
.LBB1_3:
0x28: {  	s21 =	sshll.u32 s20, $0x8  }
0x29: {  	s21 =	sand.u32 $0x3FFFFF00, s21  }
0x2a: {  	s22 =	sshll.u32 s20, $0x7;
	s21 =	sadd.s32 s21, s19  }
0x2b: {  	s22 =	sand.u32 $0x3FFFFF80, s22;
	v0 =	vmov s21  }
0x2c: {  	s22 =	sadd.s32 s22, s18  }
0x2d: {  	p0 =	por $0x1, $0x1;
	v1 =	vmov s22;
	s21 =	simm.s32 $0x0  }
.LBB1_4:
0x2e: {  	s22 =	sshll.u32 s21, $0x7  }
0x2f: {  	s22 =	sand.u32 $0x3FFFFF80, s22  }
0x30: {  	v2 =	vld.idx.msk [tilespmem:v0+s22+$0x0 ss:$0x1], $0xffff  }
0x31: {  	v3 =	vld.idx.msk [tilespmem:v0+s22+$0x10 ss:$0x1], $0xffff  }
0x32: {  	v4 =	vld.idx.msk [tilespmem:v0+s22+$0x20 ss:$0x1], $0xffff  }
0x33: {  	s31 =	sshll.u32 s21, $0xD;
	v5 =	vld.idx.msk [tilespmem:v0+s22+$0x30 ss:$0x1], $0xffff  }
0x34: {  	s21 =	sand.u32 $0x3FFFE000, s31;
	v6 =	vld.idx.msk [tilespmem:v0+s22+$0x40 ss:$0x1], $0xffff  }
0x35: {  	v63 =	vld.idx.msk [tilespmem:v0+s22+$0x70 ss:$0x1], $0xffff;
	[tilespmem:v1+s21+$0x0 ss:$0x1] =	vst.idx.msk $0xffff, v2  }
0x36: {  	v2 =	vld.idx.msk [tilespmem:v0+s22+$0x50 ss:$0x1], $0xffff;
	[tilespmem:v1+s21+$0x10 ss:$0x1] =	vst.idx.msk $0xffff, v3  }
0x37: {  	p1 =	por p0, p0;
	v3 =	vld.idx.msk [tilespmem:v0+s22+$0x60 ss:$0x1], $0xffff;
	[tilespmem:v1+s21+$0x20 ss:$0x1] =	vst.idx.msk $0xffff, v4  }
.Ltmp3:
0x38: {  	[tilespmem:v1+s21+$0x30 ss:$0x1] =	vst.idx.msk $0xffff, v5;
	(pc) =	sbr.rel @p1 .LBB1_4-.Ltmp3, $4  }
0x39: {  	[tilespmem:v1+s21+$0x40 ss:$0x1] =	vst.idx.msk $0xffff, v6  }
0x3a: {  	[tilespmem:v1+s21+$0x70 ss:$0x1] =	vst.idx.msk $0xffff, v63  }
0x3b: {  	[tilespmem:v1+s21+$0x50 ss:$0x1] =	vst.idx.msk $0xffff, v2  }
0x3c: {  	p0 =	por $0x0, $0x0;
	[tilespmem:v1+s21+$0x60 ss:$0x1] =	vst.idx.msk $0xffff, v3;
	s21 =	simm.s32 $0x1  }
0x3d: {  	s20 =	sadd.s32 $0x1, s20  }
0x3e: {  	p0 =	sne.s32 s20, $0x40  }
.Ltmp4:
0x3f: {  	_ = 	snop;
	(pc) =	sbr.rel @p0 .LBB1_3-.Ltmp4, $1  }
0x40: {  	_ =	sdelay $0x3  }
0x41: {  	s17 =	smul.u32 $0xF0000, s17  }
.Ltmp5:
0x42: {  	_ = 	snop;
	(pc) =	sbr.rel .LBB1_7-.Ltmp5, $4  }
0x43: {  	s15 =	sshll.u32 s15, $0xF;
	s16 =	sshll.u32 s16, $0x4;
	s17 =	sadd.s32 s4, s17  }
0x44: {  	s16 =	sand.u32 $0x7FF0, s16;
	s15 =	sadd.s32 s15, s17  }
0x45: {  	s15 =	sadd.s32 s16, s15  }
0x46: {  	[hbm4b:s15+s9] =	stream.strided.scatter [tilespmem:s18], [sflag:$0x2], $0x4000, s10, s9, $0x38;
	[tilespmem:$0x10000] =	vst v63  }
.LBB1_8:
0x47: {  	_ =	sfence.sel $0x180000  }
0x48: {  	s1 =	simm.s32 $0x1;
	[bflag:$0x0] =	sbarrier.arrive $0xFFFF  }
0x49: {  	s31 =	simm.s32 $0x2;
	[sflag:s1] =	ssyncpa.u1 $0x1  }
0x4a: {  	[sflag:s31] =	ssyncpa.u1 $0x1  }
0x4b: {  	p0 =	sne.s32 s0, $0x0;
	_ =	strace $0x9000004A  }
0x4c: {  	s0 =	sadd.s32 @!p0 $0x100000, s3;
	[bflag:$0x2] =	sbarrier.arrive $0xFFFF  }
0x4d: {  	[sflag:s0] =	ssyncadd.tile.s32 @!p0 $0x1;
	_ =	shalt  }
.Lfunc_end1:
_tile_overlayer_lowered:
.L_overlay_start_2:
0x4e: {  	(tag) =	ssettag $0x2  }
0x4f: {  	s0 =	rddreg [dreg:$0x0];
	s2 =	stileid.u32  }
0x50: {  	s1 =	rddreg [dreg:$0x1];
	p0 =	sne.s32 s2, $0x0  }
0x51: {  	s3 =	rddreg [dreg:$0x2];
	[bflag:$0x3] =	sbarrier.arrive $0xFFFF;
	s2 =	simm.s32 @!p0 $0x1C01  }
0x52: {  	[timem:s3], [sflag:s2] =	dma.local @!p0 [hbm:s0], s1  }
0x53: {  	s0 =	simm.s32 @!p0 $0x1  }
0x54: {  	_ =	swait.ge @!p0 [sflag:s0], s1  }
0x55: {  	s1 =	ssub.s32 @!p0 $0x0, s1;
	[sflag:s0] =	ssyncset.done @!p0 $0x0  }
0x56: {  	[sflag:s0] =	ssyncadd.s32 @!p0 s1  }
0x57: {  	[bflag:$0x3] =	sbarrier.arrive $0xFFFF  }
0x58: {  	_ =	shalt  }

</sc_bundles>
